<compile_context>
chip_gen: v7x
topology: tpu7x:2x2x1
jax: 0.10.2.dev20260603
libtpu: 0.0.44.dev20260713+nightly
codegen_flags: <defaults>
</compile_context>

<pallas_src>
import functools

import jax
import jax.numpy as jnp
from jax import lax
from jax.experimental import pallas as pl
from jax.experimental.pallas import tpu as pltpu
from jax.experimental.pallas import tpu_sc as plsc

EMB = 64
B = 16384
L = 50

NC = 2
NS = 16
NW = NC * NS
RPW = B // NW
CB = 16
NG = RPW // CB
IPG = CB * L
SW = 80
NSTREAM = IPG // SW
LANES = 16
CCH = EMB // LANES


def _sc_body(idx_hbm, fmsk_hbm, table_hbm, out_hbm,
             idx_v0, idx_v1, fmsk_v0, fmsk_v1, rows_v0, rows_v1,
             out_v0, out_v1,
             sem_ld0, sem_ld1, sem_g0, sem_g1, sem_o0, sem_o1):
    idx_v = (idx_v0, idx_v1)
    fmsk_v = (fmsk_v0, fmsk_v1)
    rows_v = (rows_v0, rows_v1)
    out_v = (out_v0, out_v1)
    sem_ld = (sem_ld0, sem_ld1)
    sem_g = (sem_g0, sem_g1)
    sem_o = (sem_o0, sem_o1)

    wid = lax.axis_index("s") * NC + lax.axis_index("c")
    wbase = wid * (RPW * L)
    rbase = wid * RPW

    def gb(g):
        return pl.multiple_of(wbase + g * IPG, 8)

    def fire_gathers(b):
        for j in range(NSTREAM):
            pltpu.make_async_copy(
                table_hbm.at[idx_v[b].at[pl.ds(j * SW, SW)]],
                rows_v[b].at[pl.ds(j * SW, SW)],
                sem_g[b],
            ).start()

    def wait_gathers(b):
        pltpu.make_async_copy(
            table_hbm.at[idx_v[b]], rows_v[b], sem_g[b],
        ).wait()

    def fire_loads(g, b):
        pltpu.make_async_copy(
            idx_hbm.at[pl.ds(gb(g), IPG)], idx_v[b], sem_ld[b]).start()
        pltpu.make_async_copy(
            fmsk_hbm.at[pl.ds(gb(g), IPG)], fmsk_v[b], sem_ld[b]).start()

    def wait_loads(g, b):
        pltpu.make_async_copy(
            idx_hbm.at[pl.ds(gb(g), IPG)], idx_v[b], sem_ld[b]).wait()
        pltpu.make_async_copy(
            fmsk_hbm.at[pl.ds(gb(g), IPG)], fmsk_v[b], sem_ld[b]).wait()

    def accumulate(b):
        def acc_row(r, c2):
            base = r * L

            def chunk(k, accs):
                kb = pl.multiple_of((k // LANES) * LANES, LANES)
                ch = fmsk_v[b][pl.ds(kb, LANES)]
                mv = ch.at[lax.iota(jnp.int32, LANES) * 0 + (k - kb)].get(
                    mode="promise_in_bounds")
                return tuple(
                    a + rows_v[b][k, pl.ds(c * LANES, LANES)] * mv
                    for c, a in enumerate(accs)
                )

            def body(l2, accs):
                return chunk(base + l2 * 2 + 1, chunk(base + l2 * 2, accs))

            z = jnp.zeros((LANES,), jnp.float32)
            accs = lax.fori_loop(0, L // 2, body, (z,) * CCH)
            for c in range(CCH):
                out_v[b][r, pl.ds(c * LANES, LANES)] = accs[c]
            return c2
        lax.fori_loop(0, CB, acc_row, 0)

    def fire_out(g, b):
        pltpu.make_async_copy(
            out_v[b], out_hbm.at[pl.ds(rbase + g * CB, CB)], sem_o[b]).start()

    def wait_out(g, b):
        pltpu.make_async_copy(
            out_v[b], out_hbm.at[pl.ds(rbase + g * CB, CB)], sem_o[b]).wait()

    fire_loads(0, 0)
    wait_loads(0, 0)
    fire_gathers(0)
    fire_loads(1, 1)

    def pair(g2, carry):
        for bpar in (0, 1):
            g = g2 * 2 + bpar

            @pl.when(g + 1 < NG)
            def _():
                wait_loads(g + 1, 1 - bpar)
                fire_gathers(1 - bpar)

            @pl.when(g + 2 < NG)
            def _():
                fire_loads(g + 2, bpar)

            wait_gathers(bpar)

            @pl.when(g >= 2)
            def _():
                wait_out(g - 2, bpar)

            accumulate(bpar)
            fire_out(g, bpar)
        return carry

    lax.fori_loop(0, NG // 2, pair, 0)
    wait_out(NG - 2, 0)
    wait_out(NG - 1, 1)


@functools.partial(jax.jit, static_argnums=())
def _run(idx_flat, fmsk_flat, table):
    mesh = plsc.VectorSubcoreMesh(core_axis_name="c", subcore_axis_name="s")
    k = pl.kernel(
        _sc_body,
        mesh=mesh,
        compiler_params=pltpu.CompilerParams(use_tc_tiling_on_sc=False),
        out_type=jax.ShapeDtypeStruct((B, EMB), jnp.float32),
        scratch_types=[
            pltpu.VMEM((IPG,), jnp.int32),
            pltpu.VMEM((IPG,), jnp.int32),
            pltpu.VMEM((IPG,), jnp.float32),
            pltpu.VMEM((IPG,), jnp.float32),
            pltpu.VMEM((IPG, EMB), jnp.float32),
            pltpu.VMEM((IPG, EMB), jnp.float32),
            pltpu.VMEM((CB, EMB), jnp.float32),
            pltpu.VMEM((CB, EMB), jnp.float32),
            pltpu.SemaphoreType.DMA,
            pltpu.SemaphoreType.DMA,
            pltpu.SemaphoreType.DMA,
            pltpu.SemaphoreType.DMA,
            pltpu.SemaphoreType.DMA,
            pltpu.SemaphoreType.DMA,
        ],
    )
    return k(idx_flat, fmsk_flat, table)


def kernel(cpt_seq, cpt_seq_mask, table):
    idx_flat = (cpt_seq + 1).reshape(-1)
    fmsk_flat = (cpt_seq_mask != 0).astype(jnp.float32).reshape(-1)
    return _run(idx_flat, fmsk_flat, table)

# --- scband reference (transcript-rebuilt; emitter-appended) ---
"""Pipeline reference for scband-knowledge-model-81252191305744 (READ-ONLY COPY).

The authoritative reference and input builder live on the scoring server;
editing this copy changes nothing except your own understanding.
"""

import jax, jax.numpy as jnp
import numpy as np

KNOW_LEN = 100000
EMB = 64
B = 16384
L = 50

def setup_inputs(seed: int = 0) -> dict:
    key = jax.random.key(seed)
    k1, k2, k3 = jax.random.split(key, 3)
    cpt_seq = jax.random.randint(k1, (B, L), 0, KNOW_LEN, dtype=jnp.int64 if jax.config.jax_enable_x64 else jnp.int32).astype(jnp.int32)
    cpt_seq_mask = jax.random.randint(k2, (B, L), 0, 2).astype(jnp.int32)
    table = jax.random.normal(k3, (KNOW_LEN + 1, EMB), dtype=jnp.float32)
    # padding_idx=0: row 0 initialized to zeros, as in nn.Embedding(padding_idx=0)
    table = table.at[0].set(0.0)
    return {"cpt_seq": cpt_seq, "cpt_seq_mask": cpt_seq_mask, "table": table}

def reference(cpt_seq, cpt_seq_mask, table):
    # t = cpt_seq + 1; t[mask == 0] = 0
    t = jnp.where(cpt_seq_mask == 0, 0, cpt_seq + 1)
    # embedding lookup (gather) then sum over the concept dimension
    emb = jnp.take(table, t, axis=0)  # [B, L, EMB]
    return emb.sum(axis=1)  # [B, EMB]

if __name__ == "__main__":
    import jax
    _d = setup_inputs()
    print(jax.jit(kernel)(*tuple(_d.values())))

</pallas_src>

<mosaic_0001>
#map = affine_map<(d0, d1) -> (0)>
#map1 = affine_map<(d0, d1) -> (0, 0)>
module attributes {stable_mosaic.version = 14 : i64} {
  func.func @_sc_body(%arg0: i32, %arg1: i32, %arg2: memref<819200xi32, #tpu.memory_space<hbm>>, %arg3: memref<819200xf32, #tpu.memory_space<hbm>>, %arg4: memref<100001x64xf32, #tpu.memory_space<hbm>>, %arg5: memref<16384x64xf32, #tpu.memory_space<hbm>>, %arg6: memref<800xi32, #tpu.memory_space<vmem>>, %arg7: memref<800xi32, #tpu.memory_space<vmem>>, %arg8: memref<800xf32, #tpu.memory_space<vmem>>, %arg9: memref<800xf32, #tpu.memory_space<vmem>>, %arg10: memref<800x64xf32, #tpu.memory_space<vmem>>, %arg11: memref<800x64xf32, #tpu.memory_space<vmem>>, %arg12: memref<16x64xf32, #tpu.memory_space<vmem>>, %arg13: memref<16x64xf32, #tpu.memory_space<vmem>>, %arg14: memref<!tpu.dma_semaphore, #tpu.memory_space<semaphore_mem>>, %arg15: memref<!tpu.dma_semaphore, #tpu.memory_space<semaphore_mem>>, %arg16: memref<!tpu.dma_semaphore, #tpu.memory_space<semaphore_mem>>, %arg17: memref<!tpu.dma_semaphore, #tpu.memory_space<semaphore_mem>>, %arg18: memref<!tpu.dma_semaphore, #tpu.memory_space<semaphore_mem>>, %arg19: memref<!tpu.dma_semaphore, #tpu.memory_space<semaphore_mem>>) attributes {dimension_semantics = [#tpu.dimension_semantics<core_parallel>, #tpu.dimension_semantics<subcore_parallel>], iteration_bounds = array<i64: 2, 16>, scalar_prefetch = 0 : i64, scratch_operands = 14 : i64, tpu.core_type = #tpu.core_type<sc_vector_subcore>, window_params = [{transform_indices = #map}, {transform_indices = #map}, {transform_indices = #map1}, {transform_indices = #map1}]} {
    %mul3A = arith.constant 2 : i32
    %mul3A_0 = arith.muli %arg1, %mul3A : i32
    %add3A = arith.addi %mul3A_0, %arg0 : i32
    %mul3A_1 = arith.constant 25600 : i32
    %mul3A_2 = arith.muli %add3A, %mul3A_1 : i32
    %mul3A_3 = arith.constant 512 : i32
    %mul3A_4 = arith.muli %add3A, %mul3A_3 : i32
    %add3A_5 = arith.constant 0 : i32
    %add3A_6 = arith.addi %mul3A_2, %add3A_5 : i32
    %multiple_of3A = tpu.assume_multiple %add3A_6, 8 : i32
    %dma_start3A = tpu.memref_slice %arg2[%multiple_of3A] : memref<819200xi32, #tpu.memory_space<hbm>> -> memref<800xi32, #tpu.memory_space<hbm>>
    %dma_start3A_7 = tpu.memref_slice %arg2[%multiple_of3A] : memref<819200xi32, #tpu.memory_space<hbm>> -> memref<800xi32, #tpu.memory_space<hbm>>
    tpu.enqueue_dma source(%dma_start3A_7 : memref<800xi32, #tpu.memory_space<hbm>>) target(%arg6 : memref<800xi32, #tpu.memory_space<vmem>>) target_semaphore(%arg14 : memref<!tpu.dma_semaphore, #tpu.memory_space<semaphore_mem>>)
    %add3A_8 = arith.constant 0 : i32
    %add3A_9 = arith.addi %mul3A_2, %add3A_8 : i32
    %multiple_of3A_10 = tpu.assume_multiple %add3A_9, 8 : i32
    %dma_start3A_11 = tpu.memref_slice %arg3[%multiple_of3A_10] : memref<819200xf32, #tpu.memory_space<hbm>> -> memref<800xf32, #tpu.memory_space<hbm>>
    %dma_start3A_12 = tpu.memref_slice %arg3[%multiple_of3A_10] : memref<819200xf32, #tpu.memory_space<hbm>> -> memref<800xf32, #tpu.memory_space<hbm>>
    tpu.enqueue_dma source(%dma_start3A_12 : memref<800xf32, #tpu.memory_space<hbm>>) target(%arg8 : memref<800xf32, #tpu.memory_space<vmem>>) target_semaphore(%arg14 : memref<!tpu.dma_semaphore, #tpu.memory_space<semaphore_mem>>)
    %add3A_13 = arith.constant 0 : i32
    %add3A_14 = arith.addi %mul3A_2, %add3A_13 : i32
    %multiple_of3A_15 = tpu.assume_multiple %add3A_14, 8 : i32
    %dma_wait3A = tpu.memref_slice %arg2[%multiple_of3A_15] : memref<819200xi32, #tpu.memory_space<hbm>> -> memref<800xi32, #tpu.memory_space<hbm>>
    %dma_wait3A_16 = tpu.memref_slice %arg2[%multiple_of3A_15] : memref<819200xi32, #tpu.memory_space<hbm>> -> memref<800xi32, #tpu.memory_space<hbm>>
    tpu.wait_dma2 semaphore(%arg14 : memref<!tpu.dma_semaphore, #tpu.memory_space<semaphore_mem>>) src(%dma_wait3A_16 : memref<800xi32, #tpu.memory_space<hbm>>) dst(%arg6 : memref<800xi32, #tpu.memory_space<vmem>>)
    %add3A_17 = arith.constant 0 : i32
    %add3A_18 = arith.addi %mul3A_2, %add3A_17 : i32
    %multiple_of3A_19 = tpu.assume_multiple %add3A_18, 8 : i32
    %dma_wait3A_20 = tpu.memref_slice %arg3[%multiple_of3A_19] : memref<819200xf32, #tpu.memory_space<hbm>> -> memref<800xf32, #tpu.memory_space<hbm>>
    %dma_wait3A_21 = tpu.memref_slice %arg3[%multiple_of3A_19] : memref<819200xf32, #tpu.memory_space<hbm>> -> memref<800xf32, #tpu.memory_space<hbm>>
    tpu.wait_dma2 semaphore(%arg14 : memref<!tpu.dma_semaphore, #tpu.memory_space<semaphore_mem>>) src(%dma_wait3A_21 : memref<800xf32, #tpu.memory_space<hbm>>) dst(%arg8 : memref<800xf32, #tpu.memory_space<vmem>>)
    %dma_start3A_22 = arith.constant 0 : i32
    %dma_start3A_23 = arith.constant 0 : i32
    %dma_start3A_24 = tpu.memref_slice %arg10[%dma_start3A_22, %dma_start3A_23] : memref<800x64xf32, #tpu.memory_space<vmem>> -> memref<80x64xf32, #tpu.memory_space<vmem>>
    %dma_start3A_25 = arith.constant 0 : i32
    %dma_start3A_26 = tpu.memref_slice %arg6[%dma_start3A_25] : memref<800xi32, #tpu.memory_space<vmem>> -> memref<80xi32, #tpu.memory_space<vmem>>
    %dma_start3A_27 = arith.constant 0 : i32
    %dma_start3A_28 = arith.constant 0 : i32
    %dma_start3A_29 = tpu.memref_slice %arg4[%dma_start3A_27, %dma_start3A_28] : memref<100001x64xf32, #tpu.memory_space<hbm>> -> memref<100001x64xf32, #tpu.memory_space<hbm>>
    tpu.enqueue_indirect_dma source(%dma_start3A_29 : memref<100001x64xf32, #tpu.memory_space<hbm>>) target(%dma_start3A_24 : memref<80x64xf32, #tpu.memory_space<vmem>>) offsets(%dma_start3A_26 : memref<80xi32, #tpu.memory_space<vmem>>) semaphore(%arg16 : memref<!tpu.dma_semaphore, #tpu.memory_space<semaphore_mem>>)
    %dma_start3A_30 = arith.constant 80 : i32
    %dma_start3A_31 = arith.constant 0 : i32
    %dma_start3A_32 = tpu.memref_slice %arg10[%dma_start3A_30, %dma_start3A_31] : memref<800x64xf32, #tpu.memory_space<vmem>> -> memref<80x64xf32, #tpu.memory_space<vmem>>
    %dma_start3A_33 = arith.constant 80 : i32
    %dma_start3A_34 = tpu.memref_slice %arg6[%dma_start3A_33] : memref<800xi32, #tpu.memory_space<vmem>> -> memref<80xi32, #tpu.memory_space<vmem>>
    %dma_start3A_35 = arith.constant 0 : i32
    %dma_start3A_36 = arith.constant 0 : i32
    %dma_start3A_37 = tpu.memref_slice %arg4[%dma_start3A_35, %dma_start3A_36] : memref<100001x64xf32, #tpu.memory_space<hbm>> -> memref<100001x64xf32, #tpu.memory_space<hbm>>
    tpu.enqueue_indirect_dma source(%dma_start3A_37 : memref<100001x64xf32, #tpu.memory_space<hbm>>) target(%dma_start3A_32 : memref<80x64xf32, #tpu.memory_space<vmem>>) offsets(%dma_start3A_34 : memref<80xi32, #tpu.memory_space<vmem>>) semaphore(%arg16 : memref<!tpu.dma_semaphore, #tpu.memory_space<semaphore_mem>>)
    %dma_start3A_38 = arith.constant 160 : i32
    %dma_start3A_39 = arith.constant 0 : i32
    %dma_start3A_40 = tpu.memref_slice %arg10[%dma_start3A_38, %dma_start3A_39] : memref<800x64xf32, #tpu.memory_space<vmem>> -> memref<80x64xf32, #tpu.memory_space<vmem>>
    %dma_start3A_41 = arith.constant 160 : i32
    %dma_start3A_42 = tpu.memref_slice %arg6[%dma_start3A_41] : memref<800xi32, #tpu.memory_space<vmem>> -> memref<80xi32, #tpu.memory_space<vmem>>
    %dma_start3A_43 = arith.constant 0 : i32
    %dma_start3A_44 = arith.constant 0 : i32
    %dma_start3A_45 = tpu.memref_slice %arg4[%dma_start3A_43, %dma_start3A_44] : memref<100001x64xf32, #tpu.memory_space<hbm>> -> memref<100001x64xf32, #tpu.memory_space<hbm>>
    tpu.enqueue_indirect_dma source(%dma_start3A_45 : memref<100001x64xf32, #tpu.memory_space<hbm>>) target(%dma_start3A_40 : memref<80x64xf32, #tpu.memory_space<vmem>>) offsets(%dma_start3A_42 : memref<80xi32, #tpu.memory_space<vmem>>) semaphore(%arg16 : memref<!tpu.dma_semaphore, #tpu.memory_space<semaphore_mem>>)
    %dma_start3A_46 = arith.constant 240 : i32
    %dma_start3A_47 = arith.constant 0 : i32
    %dma_start3A_48 = tpu.memref_slice %arg10[%dma_start3A_46, %dma_start3A_47] : memref<800x64xf32, #tpu.memory_space<vmem>> -> memref<80x64xf32, #tpu.memory_space<vmem>>
    %dma_start3A_49 = arith.constant 240 : i32
    %dma_start3A_50 = tpu.memref_slice %arg6[%dma_start3A_49] : memref<800xi32, #tpu.memory_space<vmem>> -> memref<80xi32, #tpu.memory_space<vmem>>
    %dma_start3A_51 = arith.constant 0 : i32
    %dma_start3A_52 = arith.constant 0 : i32
    %dma_start3A_53 = tpu.memref_slice %arg4[%dma_start3A_51, %dma_start3A_52] : memref<100001x64xf32, #tpu.memory_space<hbm>> -> memref<100001x64xf32, #tpu.memory_space<hbm>>
    tpu.enqueue_indirect_dma source(%dma_start3A_53 : memref<100001x64xf32, #tpu.memory_space<hbm>>) target(%dma_start3A_48 : memref<80x64xf32, #tpu.memory_space<vmem>>) offsets(%dma_start3A_50 : memref<80xi32, #tpu.memory_space<vmem>>) semaphore(%arg16 : memref<!tpu.dma_semaphore, #tpu.memory_space<semaphore_mem>>)
    %dma_start3A_54 = arith.constant 320 : i32
    %dma_start3A_55 = arith.constant 0 : i32
    %dma_start3A_56 = tpu.memref_slice %arg10[%dma_start3A_54, %dma_start3A_55] : memref<800x64xf32, #tpu.memory_space<vmem>> -> memref<80x64xf32, #tpu.memory_space<vmem>>
    %dma_start3A_57 = arith.constant 320 : i32
    %dma_start3A_58 = tpu.memref_slice %arg6[%dma_start3A_57] : memref<800xi32, #tpu.memory_space<vmem>> -> memref<80xi32, #tpu.memory_space<vmem>>
    %dma_start3A_59 = arith.constant 0 : i32
    %dma_start3A_60 = arith.constant 0 : i32
    %dma_start3A_61 = tpu.memref_slice %arg4[%dma_start3A_59, %dma_start3A_60] : memref<100001x64xf32, #tpu.memory_space<hbm>> -> memref<100001x64xf32, #tpu.memory_space<hbm>>
    tpu.enqueue_indirect_dma source(%dma_start3A_61 : memref<100001x64xf32, #tpu.memory_space<hbm>>) target(%dma_start3A_56 : memref<80x64xf32, #tpu.memory_space<vmem>>) offsets(%dma_start3A_58 : memref<80xi32, #tpu.memory_space<vmem>>) semaphore(%arg16 : memref<!tpu.dma_semaphore, #tpu.memory_space<semaphore_mem>>)
    %dma_start3A_62 = arith.constant 400 : i32
    %dma_start3A_63 = arith.constant 0 : i32
    %dma_start3A_64 = tpu.memref_slice %arg10[%dma_start3A_62, %dma_start3A_63] : memref<800x64xf32, #tpu.memory_space<vmem>> -> memref<80x64xf32, #tpu.memory_space<vmem>>
    %dma_start3A_65 = arith.constant 400 : i32
    %dma_start3A_66 = tpu.memref_slice %arg6[%dma_start3A_65] : memref<800xi32, #tpu.memory_space<vmem>> -> memref<80xi32, #tpu.memory_space<vmem>>
    %dma_start3A_67 = arith.constant 0 : i32
    %dma_start3A_68 = arith.constant 0 : i32
    %dma_start3A_69 = tpu.memref_slice %arg4[%dma_start3A_67, %dma_start3A_68] : memref<100001x64xf32, #tpu.memory_space<hbm>> -> memref<100001x64xf32, #tpu.memory_space<hbm>>
    tpu.enqueue_indirect_dma source(%dma_start3A_69 : memref<100001x64xf32, #tpu.memory_space<hbm>>) target(%dma_start3A_64 : memref<80x64xf32, #tpu.memory_space<vmem>>) offsets(%dma_start3A_66 : memref<80xi32, #tpu.memory_space<vmem>>) semaphore(%arg16 : memref<!tpu.dma_semaphore, #tpu.memory_space<semaphore_mem>>)
    %dma_start3A_70 = arith.constant 480 : i32
    %dma_start3A_71 = arith.constant 0 : i32
    %dma_start3A_72 = tpu.memref_slice %arg10[%dma_start3A_70, %dma_start3A_71] : memref<800x64xf32, #tpu.memory_space<vmem>> -> memref<80x64xf32, #tpu.memory_space<vmem>>
    %dma_start3A_73 = arith.constant 480 : i32
    %dma_start3A_74 = tpu.memref_slice %arg6[%dma_start3A_73] : memref<800xi32, #tpu.memory_space<vmem>> -> memref<80xi32, #tpu.memory_space<vmem>>
    %dma_start3A_75 = arith.constant 0 : i32
    %dma_start3A_76 = arith.constant 0 : i32
    %dma_start3A_77 = tpu.memref_slice %arg4[%dma_start3A_75, %dma_start3A_76] : memref<100001x64xf32, #tpu.memory_space<hbm>> -> memref<100001x64xf32, #tpu.memory_space<hbm>>
    tpu.enqueue_indirect_dma source(%dma_start3A_77 : memref<100001x64xf32, #tpu.memory_space<hbm>>) target(%dma_start3A_72 : memref<80x64xf32, #tpu.memory_space<vmem>>) offsets(%dma_start3A_74 : memref<80xi32, #tpu.memory_space<vmem>>) semaphore(%arg16 : memref<!tpu.dma_semaphore, #tpu.memory_space<semaphore_mem>>)
    %dma_start3A_78 = arith.constant 560 : i32
    %dma_start3A_79 = arith.constant 0 : i32
    %dma_start3A_80 = tpu.memref_slice %arg10[%dma_start3A_78, %dma_start3A_79] : memref<800x64xf32, #tpu.memory_space<vmem>> -> memref<80x64xf32, #tpu.memory_space<vmem>>
    %dma_start3A_81 = arith.constant 560 : i32
    %dma_start3A_82 = tpu.memref_slice %arg6[%dma_start3A_81] : memref<800xi32, #tpu.memory_space<vmem>> -> memref<80xi32, #tpu.memory_space<vmem>>
    %dma_start3A_83 = arith.constant 0 : i32
    %dma_start3A_84 = arith.constant 0 : i32
    %dma_start3A_85 = tpu.memref_slice %arg4[%dma_start3A_83, %dma_start3A_84] : memref<100001x64xf32, #tpu.memory_space<hbm>> -> memref<100001x64xf32, #tpu.memory_space<hbm>>
    tpu.enqueue_indirect_dma source(%dma_start3A_85 : memref<100001x64xf32, #tpu.memory_space<hbm>>) target(%dma_start3A_80 : memref<80x64xf32, #tpu.memory_space<vmem>>) offsets(%dma_start3A_82 : memref<80xi32, #tpu.memory_space<vmem>>) semaphore(%arg16 : memref<!tpu.dma_semaphore, #tpu.memory_space<semaphore_mem>>)
    %dma_start3A_86 = arith.constant 640 : i32
    %dma_start3A_87 = arith.constant 0 : i32
    %dma_start3A_88 = tpu.memref_slice %arg10[%dma_start3A_86, %dma_start3A_87] : memref<800x64xf32, #tpu.memory_space<vmem>> -> memref<80x64xf32, #tpu.memory_space<vmem>>
    %dma_start3A_89 = arith.constant 640 : i32
    %dma_start3A_90 = tpu.memref_slice %arg6[%dma_start3A_89] : memref<800xi32, #tpu.memory_space<vmem>> -> memref<80xi32, #tpu.memory_space<vmem>>
    %dma_start3A_91 = arith.constant 0 : i32
    %dma_start3A_92 = arith.constant 0 : i32
    %dma_start3A_93 = tpu.memref_slice %arg4[%dma_start3A_91, %dma_start3A_92] : memref<100001x64xf32, #tpu.memory_space<hbm>> -> memref<100001x64xf32, #tpu.memory_space<hbm>>
    tpu.enqueue_indirect_dma source(%dma_start3A_93 : memref<100001x64xf32, #tpu.memory_space<hbm>>) target(%dma_start3A_88 : memref<80x64xf32, #tpu.memory_space<vmem>>) offsets(%dma_start3A_90 : memref<80xi32, #tpu.memory_space<vmem>>) semaphore(%arg16 : memref<!tpu.dma_semaphore, #tpu.memory_space<semaphore_mem>>)
    %dma_start3A_94 = arith.constant 720 : i32
    %dma_start3A_95 = arith.constant 0 : i32
    %dma_start3A_96 = tpu.memref_slice %arg10[%dma_start3A_94, %dma_start3A_95] : memref<800x64xf32, #tpu.memory_space<vmem>> -> memref<80x64xf32, #tpu.memory_space<vmem>>
    %dma_start3A_97 = arith.constant 720 : i32
    %dma_start3A_98 = tpu.memref_slice %arg6[%dma_start3A_97] : memref<800xi32, #tpu.memory_space<vmem>> -> memref<80xi32, #tpu.memory_space<vmem>>
    %dma_start3A_99 = arith.constant 0 : i32
    %dma_start3A_100 = arith.constant 0 : i32
    %dma_start3A_101 = tpu.memref_slice %arg4[%dma_start3A_99, %dma_start3A_100] : memref<100001x64xf32, #tpu.memory_space<hbm>> -> memref<100001x64xf32, #tpu.memory_space<hbm>>
    tpu.enqueue_indirect_dma source(%dma_start3A_101 : memref<100001x64xf32, #tpu.memory_space<hbm>>) target(%dma_start3A_96 : memref<80x64xf32, #tpu.memory_space<vmem>>) offsets(%dma_start3A_98 : memref<80xi32, #tpu.memory_space<vmem>>) semaphore(%arg16 : memref<!tpu.dma_semaphore, #tpu.memory_space<semaphore_mem>>)
    %add3A_102 = arith.constant 800 : i32
    %add3A_103 = arith.addi %mul3A_2, %add3A_102 : i32
    %multiple_of3A_104 = tpu.assume_multiple %add3A_103, 8 : i32
    %dma_start3A_105 = tpu.memref_slice %arg2[%multiple_of3A_104] : memref<819200xi32, #tpu.memory_space<hbm>> -> memref<800xi32, #tpu.memory_space<hbm>>
    %dma_start3A_106 = tpu.memref_slice %arg2[%multiple_of3A_104] : memref<819200xi32, #tpu.memory_space<hbm>> -> memref<800xi32, #tpu.memory_space<hbm>>
    tpu.enqueue_dma source(%dma_start3A_106 : memref<800xi32, #tpu.memory_space<hbm>>) target(%arg7 : memref<800xi32, #tpu.memory_space<vmem>>) target_semaphore(%arg15 : memref<!tpu.dma_semaphore, #tpu.memory_space<semaphore_mem>>)
    %add3A_107 = arith.constant 800 : i32
    %add3A_108 = arith.addi %mul3A_2, %add3A_107 : i32
    %multiple_of3A_109 = tpu.assume_multiple %add3A_108, 8 : i32
    %dma_start3A_110 = tpu.memref_slice %arg3[%multiple_of3A_109] : memref<819200xf32, #tpu.memory_space<hbm>> -> memref<800xf32, #tpu.memory_space<hbm>>
    %dma_start3A_111 = tpu.memref_slice %arg3[%multiple_of3A_109] : memref<819200xf32, #tpu.memory_space<hbm>> -> memref<800xf32, #tpu.memory_space<hbm>>
    tpu.enqueue_dma source(%dma_start3A_111 : memref<800xf32, #tpu.memory_space<hbm>>) target(%arg9 : memref<800xf32, #tpu.memory_space<vmem>>) target_semaphore(%arg15 : memref<!tpu.dma_semaphore, #tpu.memory_space<semaphore_mem>>)
    %scan3A = arith.constant 0 : i32
    %scan3A_112 = arith.constant 0 : i32
    %scan3A_113 = arith.constant 16 : i32
    %scan3A_114 = arith.addi %scan3A_112, %scan3A_113 : i32
    %scan3A_115 = arith.constant 1 : i32
    scf.for %scan3A_129 = %scan3A_112 to %scan3A_114 step %scan3A_115  : i32 {
      %mul3A_130 = arith.constant 2 : i32
      %mul3A_131 = arith.muli %scan3A_129, %mul3A_130 : i32
      %add3A_132 = arith.constant 0 : i32
      %add3A_133 = arith.addi %mul3A_131, %add3A_132 : i32
      %add3A_134 = arith.constant 1 : i32
      %add3A_135 = arith.addi %add3A_133, %add3A_134 : i32
      %lt3A = arith.constant 32 : i32
      %lt3A_136 = arith.cmpi slt, %add3A_135, %lt3A : i32
      %convert_element_type3A = arith.extui %lt3A_136 : i1 to i32
      %cond3A = arith.constant 0 : i32
      %cond3A_137 = arith.cmpi ne, %convert_element_type3A, %cond3A : i32
      scf.if %cond3A_137 {
        %add3A_204 = arith.constant 1 : i32
        %add3A_205 = arith.addi %add3A_133, %add3A_204 : i32
        %mul3A_206 = arith.constant 800 : i32
        %mul3A_207 = arith.muli %add3A_205, %mul3A_206 : i32
        %add3A_208 = arith.addi %mul3A_2, %mul3A_207 : i32
        %multiple_of3A_209 = tpu.assume_multiple %add3A_208, 8 : i32
        %dma_wait3A_210 = tpu.memref_slice %arg2[%multiple_of3A_209] : memref<819200xi32, #tpu.memory_space<hbm>> -> memref<800xi32, #tpu.memory_space<hbm>>
        %dma_wait3A_211 = tpu.memref_slice %arg2[%multiple_of3A_209] : memref<819200xi32, #tpu.memory_space<hbm>> -> memref<800xi32, #tpu.memory_space<hbm>>
        tpu.wait_dma2 semaphore(%arg15 : memref<!tpu.dma_semaphore, #tpu.memory_space<semaphore_mem>>) src(%dma_wait3A_211 : memref<800xi32, #tpu.memory_space<hbm>>) dst(%arg7 : memref<800xi32, #tpu.memory_space<vmem>>)
        %mul3A_212 = arith.constant 800 : i32
        %mul3A_213 = arith.muli %add3A_205, %mul3A_212 : i32
        %add3A_214 = arith.addi %mul3A_2, %mul3A_213 : i32
        %multiple_of3A_215 = tpu.assume_multiple %add3A_214, 8 : i32
        %dma_wait3A_216 = tpu.memref_slice %arg3[%multiple_of3A_215] : memref<819200xf32, #tpu.memory_space<hbm>> -> memref<800xf32, #tpu.memory_space<hbm>>
        %dma_wait3A_217 = tpu.memref_slice %arg3[%multiple_of3A_215] : memref<819200xf32, #tpu.memory_space<hbm>> -> memref<800xf32, #tpu.memory_space<hbm>>
        tpu.wait_dma2 semaphore(%arg15 : memref<!tpu.dma_semaphore, #tpu.memory_space<semaphore_mem>>) src(%dma_wait3A_217 : memref<800xf32, #tpu.memory_space<hbm>>) dst(%arg9 : memref<800xf32, #tpu.memory_space<vmem>>)
        %dma_start3A_218 = arith.constant 0 : i32
        %dma_start3A_219 = arith.constant 0 : i32
        %dma_start3A_220 = tpu.memref_slice %arg11[%dma_start3A_218, %dma_start3A_219] : memref<800x64xf32, #tpu.memory_space<vmem>> -> memref<80x64xf32, #tpu.memory_space<vmem>>
        %dma_start3A_221 = arith.constant 0 : i32
        %dma_start3A_222 = tpu.memref_slice %arg7[%dma_start3A_221] : memref<800xi32, #tpu.memory_space<vmem>> -> memref<80xi32, #tpu.memory_space<vmem>>
        %dma_start3A_223 = arith.constant 0 : i32
        %dma_start3A_224 = arith.constant 0 : i32
        %dma_start3A_225 = tpu.memref_slice %arg4[%dma_start3A_223, %dma_start3A_224] : memref<100001x64xf32, #tpu.memory_space<hbm>> -> memref<100001x64xf32, #tpu.memory_space<hbm>>
        tpu.enqueue_indirect_dma source(%dma_start3A_225 : memref<100001x64xf32, #tpu.memory_space<hbm>>) target(%dma_start3A_220 : memref<80x64xf32, #tpu.memory_space<vmem>>) offsets(%dma_start3A_222 : memref<80xi32, #tpu.memory_space<vmem>>) semaphore(%arg17 : memref<!tpu.dma_semaphore, #tpu.memory_space<semaphore_mem>>)
        %dma_start3A_226 = arith.constant 80 : i32
        %dma_start3A_227 = arith.constant 0 : i32
        %dma_start3A_228 = tpu.memref_slice %arg11[%dma_start3A_226, %dma_start3A_227] : memref<800x64xf32, #tpu.memory_space<vmem>> -> memref<80x64xf32, #tpu.memory_space<vmem>>
        %dma_start3A_229 = arith.constant 80 : i32
        %dma_start3A_230 = tpu.memref_slice %arg7[%dma_start3A_229] : memref<800xi32, #tpu.memory_space<vmem>> -> memref<80xi32, #tpu.memory_space<vmem>>
        %dma_start3A_231 = arith.constant 0 : i32
        %dma_start3A_232 = arith.constant 0 : i32
        %dma_start3A_233 = tpu.memref_slice %arg4[%dma_start3A_231, %dma_start3A_232] : memref<100001x64xf32, #tpu.memory_space<hbm>> -> memref<100001x64xf32, #tpu.memory_space<hbm>>
        tpu.enqueue_indirect_dma source(%dma_start3A_233 : memref<100001x64xf32, #tpu.memory_space<hbm>>) target(%dma_start3A_228 : memref<80x64xf32, #tpu.memory_space<vmem>>) offsets(%dma_start3A_230 : memref<80xi32, #tpu.memory_space<vmem>>) semaphore(%arg17 : memref<!tpu.dma_semaphore, #tpu.memory_space<semaphore_mem>>)
        %dma_start3A_234 = arith.constant 160 : i32
        %dma_start3A_235 = arith.constant 0 : i32
        %dma_start3A_236 = tpu.memref_slice %arg11[%dma_start3A_234, %dma_start3A_235] : memref<800x64xf32, #tpu.memory_space<vmem>> -> memref<80x64xf32, #tpu.memory_space<vmem>>
        %dma_start3A_237 = arith.constant 160 : i32
        %dma_start3A_238 = tpu.memref_slice %arg7[%dma_start3A_237] : memref<800xi32, #tpu.memory_space<vmem>> -> memref<80xi32, #tpu.memory_space<vmem>>
        %dma_start3A_239 = arith.constant 0 : i32
        %dma_start3A_240 = arith.constant 0 : i32
        %dma_start3A_241 = tpu.memref_slice %arg4[%dma_start3A_239, %dma_start3A_240] : memref<100001x64xf32, #tpu.memory_space<hbm>> -> memref<100001x64xf32, #tpu.memory_space<hbm>>
        tpu.enqueue_indirect_dma source(%dma_start3A_241 : memref<100001x64xf32, #tpu.memory_space<hbm>>) target(%dma_start3A_236 : memref<80x64xf32, #tpu.memory_space<vmem>>) offsets(%dma_start3A_238 : memref<80xi32, #tpu.memory_space<vmem>>) semaphore(%arg17 : memref<!tpu.dma_semaphore, #tpu.memory_space<semaphore_mem>>)
        %dma_start3A_242 = arith.constant 240 : i32
        %dma_start3A_243 = arith.constant 0 : i32
        %dma_start3A_244 = tpu.memref_slice %arg11[%dma_start3A_242, %dma_start3A_243] : memref<800x64xf32, #tpu.memory_space<vmem>> -> memref<80x64xf32, #tpu.memory_space<vmem>>
        %dma_start3A_245 = arith.constant 240 : i32
        %dma_start3A_246 = tpu.memref_slice %arg7[%dma_start3A_245] : memref<800xi32, #tpu.memory_space<vmem>> -> memref<80xi32, #tpu.memory_space<vmem>>
        %dma_start3A_247 = arith.constant 0 : i32
        %dma_start3A_248 = arith.constant 0 : i32
        %dma_start3A_249 = tpu.memref_slice %arg4[%dma_start3A_247, %dma_start3A_248] : memref<100001x64xf32, #tpu.memory_space<hbm>> -> memref<100001x64xf32, #tpu.memory_space<hbm>>
        tpu.enqueue_indirect_dma source(%dma_start3A_249 : memref<100001x64xf32, #tpu.memory_space<hbm>>) target(%dma_start3A_244 : memref<80x64xf32, #tpu.memory_space<vmem>>) offsets(%dma_start3A_246 : memref<80xi32, #tpu.memory_space<vmem>>) semaphore(%arg17 : memref<!tpu.dma_semaphore, #tpu.memory_space<semaphore_mem>>)
        %dma_start3A_250 = arith.constant 320 : i32
        %dma_start3A_251 = arith.constant 0 : i32
        %dma_start3A_252 = tpu.memref_slice %arg11[%dma_start3A_250, %dma_start3A_251] : memref<800x64xf32, #tpu.memory_space<vmem>> -> memref<80x64xf32, #tpu.memory_space<vmem>>
        %dma_start3A_253 = arith.constant 320 : i32
        %dma_start3A_254 = tpu.memref_slice %arg7[%dma_start3A_253] : memref<800xi32, #tpu.memory_space<vmem>> -> memref<80xi32, #tpu.memory_space<vmem>>
        %dma_start3A_255 = arith.constant 0 : i32
        %dma_start3A_256 = arith.constant 0 : i32
        %dma_start3A_257 = tpu.memref_slice %arg4[%dma_start3A_255, %dma_start3A_256] : memref<100001x64xf32, #tpu.memory_space<hbm>> -> memref<100001x64xf32, #tpu.memory_space<hbm>>
        tpu.enqueue_indirect_dma source(%dma_start3A_257 : memref<100001x64xf32, #tpu.memory_space<hbm>>) target(%dma_start3A_252 : memref<80x64xf32, #tpu.memory_space<vmem>>) offsets(%dma_start3A_254 : memref<80xi32, #tpu.memory_space<vmem>>) semaphore(%arg17 : memref<!tpu.dma_semaphore, #tpu.memory_space<semaphore_mem>>)
        %dma_start3A_258 = arith.constant 400 : i32
        %dma_start3A_259 = arith.constant 0 : i32
        %dma_start3A_260 = tpu.memref_slice %arg11[%dma_start3A_258, %dma_start3A_259] : memref<800x64xf32, #tpu.memory_space<vmem>> -> memref<80x64xf32, #tpu.memory_space<vmem>>
        %dma_start3A_261 = arith.constant 400 : i32
        %dma_start3A_262 = tpu.memref_slice %arg7[%dma_start3A_261] : memref<800xi32, #tpu.memory_space<vmem>> -> memref<80xi32, #tpu.memory_space<vmem>>
        %dma_start3A_263 = arith.constant 0 : i32
        %dma_start3A_264 = arith.constant 0 : i32
        %dma_start3A_265 = tpu.memref_slice %arg4[%dma_start3A_263, %dma_start3A_264] : memref<100001x64xf32, #tpu.memory_space<hbm>> -> memref<100001x64xf32, #tpu.memory_space<hbm>>
        tpu.enqueue_indirect_dma source(%dma_start3A_265 : memref<100001x64xf32, #tpu.memory_space<hbm>>) target(%dma_start3A_260 : memref<80x64xf32, #tpu.memory_space<vmem>>) offsets(%dma_start3A_262 : memref<80xi32, #tpu.memory_space<vmem>>) semaphore(%arg17 : memref<!tpu.dma_semaphore, #tpu.memory_space<semaphore_mem>>)
        %dma_start3A_266 = arith.constant 480 : i32
        %dma_start3A_267 = arith.constant 0 : i32
        %dma_start3A_268 = tpu.memref_slice %arg11[%dma_start3A_266, %dma_start3A_267] : memref<800x64xf32, #tpu.memory_space<vmem>> -> memref<80x64xf32, #tpu.memory_space<vmem>>
        %dma_start3A_269 = arith.constant 480 : i32
        %dma_start3A_270 = tpu.memref_slice %arg7[%dma_start3A_269] : memref<800xi32, #tpu.memory_space<vmem>> -> memref<80xi32, #tpu.memory_space<vmem>>
        %dma_start3A_271 = arith.constant 0 : i32
        %dma_start3A_272 = arith.constant 0 : i32
        %dma_start3A_273 = tpu.memref_slice %arg4[%dma_start3A_271, %dma_start3A_272] : memref<100001x64xf32, #tpu.memory_space<hbm>> -> memref<100001x64xf32, #tpu.memory_space<hbm>>
        tpu.enqueue_indirect_dma source(%dma_start3A_273 : memref<100001x64xf32, #tpu.memory_space<hbm>>) target(%dma_start3A_268 : memref<80x64xf32, #tpu.memory_space<vmem>>) offsets(%dma_start3A_270 : memref<80xi32, #tpu.memory_space<vmem>>) semaphore(%arg17 : memref<!tpu.dma_semaphore, #tpu.memory_space<semaphore_mem>>)
        %dma_start3A_274 = arith.constant 560 : i32
        %dma_start3A_275 = arith.constant 0 : i32
        %dma_start3A_276 = tpu.memref_slice %arg11[%dma_start3A_274, %dma_start3A_275] : memref<800x64xf32, #tpu.memory_space<vmem>> -> memref<80x64xf32, #tpu.memory_space<vmem>>
        %dma_start3A_277 = arith.constant 560 : i32
        %dma_start3A_278 = tpu.memref_slice %arg7[%dma_start3A_277] : memref<800xi32, #tpu.memory_space<vmem>> -> memref<80xi32, #tpu.memory_space<vmem>>
        %dma_start3A_279 = arith.constant 0 : i32
        %dma_start3A_280 = arith.constant 0 : i32
        %dma_start3A_281 = tpu.memref_slice %arg4[%dma_start3A_279, %dma_start3A_280] : memref<100001x64xf32, #tpu.memory_space<hbm>> -> memref<100001x64xf32, #tpu.memory_space<hbm>>
        tpu.enqueue_indirect_dma source(%dma_start3A_281 : memref<100001x64xf32, #tpu.memory_space<hbm>>) target(%dma_start3A_276 : memref<80x64xf32, #tpu.memory_space<vmem>>) offsets(%dma_start3A_278 : memref<80xi32, #tpu.memory_space<vmem>>) semaphore(%arg17 : memref<!tpu.dma_semaphore, #tpu.memory_space<semaphore_mem>>)
        %dma_start3A_282 = arith.constant 640 : i32
        %dma_start3A_283 = arith.constant 0 : i32
        %dma_start3A_284 = tpu.memref_slice %arg11[%dma_start3A_282, %dma_start3A_283] : memref<800x64xf32, #tpu.memory_space<vmem>> -> memref<80x64xf32, #tpu.memory_space<vmem>>
        %dma_start3A_285 = arith.constant 640 : i32
        %dma_start3A_286 = tpu.memref_slice %arg7[%dma_start3A_285] : memref<800xi32, #tpu.memory_space<vmem>> -> memref<80xi32, #tpu.memory_space<vmem>>
        %dma_start3A_287 = arith.constant 0 : i32
        %dma_start3A_288 = arith.constant 0 : i32
        %dma_start3A_289 = tpu.memref_slice %arg4[%dma_start3A_287, %dma_start3A_288] : memref<100001x64xf32, #tpu.memory_space<hbm>> -> memref<100001x64xf32, #tpu.memory_space<hbm>>
        tpu.enqueue_indirect_dma source(%dma_start3A_289 : memref<100001x64xf32, #tpu.memory_space<hbm>>) target(%dma_start3A_284 : memref<80x64xf32, #tpu.memory_space<vmem>>) offsets(%dma_start3A_286 : memref<80xi32, #tpu.memory_space<vmem>>) semaphore(%arg17 : memref<!tpu.dma_semaphore, #tpu.memory_space<semaphore_mem>>)
        %dma_start3A_290 = arith.constant 720 : i32
        %dma_start3A_291 = arith.constant 0 : i32
        %dma_start3A_292 = tpu.memref_slice %arg11[%dma_start3A_290, %dma_start3A_291] : memref<800x64xf32, #tpu.memory_space<vmem>> -> memref<80x64xf32, #tpu.memory_space<vmem>>
        %dma_start3A_293 = arith.constant 720 : i32
        %dma_start3A_294 = tpu.memref_slice %arg7[%dma_start3A_293] : memref<800xi32, #tpu.memory_space<vmem>> -> memref<80xi32, #tpu.memory_space<vmem>>
        %dma_start3A_295 = arith.constant 0 : i32
        %dma_start3A_296 = arith.constant 0 : i32
        %dma_start3A_297 = tpu.memref_slice %arg4[%dma_start3A_295, %dma_start3A_296] : memref<100001x64xf32, #tpu.memory_space<hbm>> -> memref<100001x64xf32, #tpu.memory_space<hbm>>
        tpu.enqueue_indirect_dma source(%dma_start3A_297 : memref<100001x64xf32, #tpu.memory_space<hbm>>) target(%dma_start3A_292 : memref<80x64xf32, #tpu.memory_space<vmem>>) offsets(%dma_start3A_294 : memref<80xi32, #tpu.memory_space<vmem>>) semaphore(%arg17 : memref<!tpu.dma_semaphore, #tpu.memory_space<semaphore_mem>>)
      } else {
      }
      %add3A_138 = arith.constant 2 : i32
      %add3A_139 = arith.addi %add3A_133, %add3A_138 : i32
      %lt3A_140 = arith.constant 32 : i32
      %lt3A_141 = arith.cmpi slt, %add3A_139, %lt3A_140 : i32
      %convert_element_type3A_142 = arith.extui %lt3A_141 : i1 to i32
      %cond3A_143 = arith.constant 0 : i32
      %cond3A_144 = arith.cmpi ne, %convert_element_type3A_142, %cond3A_143 : i32
      scf.if %cond3A_144 {
        %add3A_204 = arith.constant 2 : i32
        %add3A_205 = arith.addi %add3A_133, %add3A_204 : i32
        %mul3A_206 = arith.constant 800 : i32
        %mul3A_207 = arith.muli %add3A_205, %mul3A_206 : i32
        %add3A_208 = arith.addi %mul3A_2, %mul3A_207 : i32
        %multiple_of3A_209 = tpu.assume_multiple %add3A_208, 8 : i32
        %dma_start3A_210 = tpu.memref_slice %arg2[%multiple_of3A_209] : memref<819200xi32, #tpu.memory_space<hbm>> -> memref<800xi32, #tpu.memory_space<hbm>>
        %dma_start3A_211 = tpu.memref_slice %arg2[%multiple_of3A_209] : memref<819200xi32, #tpu.memory_space<hbm>> -> memref<800xi32, #tpu.memory_space<hbm>>
        tpu.enqueue_dma source(%dma_start3A_211 : memref<800xi32, #tpu.memory_space<hbm>>) target(%arg6 : memref<800xi32, #tpu.memory_space<vmem>>) target_semaphore(%arg14 : memref<!tpu.dma_semaphore, #tpu.memory_space<semaphore_mem>>)
        %mul3A_212 = arith.constant 800 : i32
        %mul3A_213 = arith.muli %add3A_205, %mul3A_212 : i32
        %add3A_214 = arith.addi %mul3A_2, %mul3A_213 : i32
        %multiple_of3A_215 = tpu.assume_multiple %add3A_214, 8 : i32
        %dma_start3A_216 = tpu.memref_slice %arg3[%multiple_of3A_215] : memref<819200xf32, #tpu.memory_space<hbm>> -> memref<800xf32, #tpu.memory_space<hbm>>
        %dma_start3A_217 = tpu.memref_slice %arg3[%multiple_of3A_215] : memref<819200xf32, #tpu.memory_space<hbm>> -> memref<800xf32, #tpu.memory_space<hbm>>
        tpu.enqueue_dma source(%dma_start3A_217 : memref<800xf32, #tpu.memory_space<hbm>>) target(%arg8 : memref<800xf32, #tpu.memory_space<vmem>>) target_semaphore(%arg14 : memref<!tpu.dma_semaphore, #tpu.memory_space<semaphore_mem>>)
      } else {
      }
      %dma_wait3A_145 = arith.constant 0 : i32
      %dma_wait3A_146 = arith.constant 0 : i32
      %dma_wait3A_147 = tpu.memref_slice %arg4[%dma_wait3A_145, %dma_wait3A_146] : memref<100001x64xf32, #tpu.memory_space<hbm>> -> memref<100001x64xf32, #tpu.memory_space<hbm>>
      tpu.wait_indirect_dma semaphore(%arg16 : memref<!tpu.dma_semaphore, #tpu.memory_space<semaphore_mem>>) src(%dma_wait3A_147 : memref<100001x64xf32, #tpu.memory_space<hbm>>) dst(%arg10 : memref<800x64xf32, #tpu.memory_space<vmem>>)
      %ge3A = arith.constant 2 : i32
      %ge3A_148 = arith.cmpi sge, %add3A_133, %ge3A : i32
      %convert_element_type3A_149 = arith.extui %ge3A_148 : i1 to i32
      %cond3A_150 = arith.constant 0 : i32
      %cond3A_151 = arith.cmpi ne, %convert_element_type3A_149, %cond3A_150 : i32
      scf.if %cond3A_151 {
        %sub3A = arith.constant 2 : i32
        %sub3A_204 = arith.subi %add3A_133, %sub3A : i32
        %mul3A_205 = arith.constant 16 : i32
        %mul3A_206 = arith.muli %sub3A_204, %mul3A_205 : i32
        %add3A_207 = arith.addi %mul3A_4, %mul3A_206 : i32
        %dma_wait3A_208 = arith.constant 0 : i32
        %dma_wait3A_209 = tpu.memref_slice %arg5[%add3A_207, %dma_wait3A_208] : memref<16384x64xf32, #tpu.memory_space<hbm>> -> memref<16x64xf32, #tpu.memory_space<hbm>>
        %dma_wait3A_210 = arith.constant 0 : i32
        %dma_wait3A_211 = tpu.memref_slice %arg5[%add3A_207, %dma_wait3A_210] : memref<16384x64xf32, #tpu.memory_space<hbm>> -> memref<16x64xf32, #tpu.memory_space<hbm>>
        tpu.wait_dma2 semaphore(%arg18 : memref<!tpu.dma_semaphore, #tpu.memory_space<semaphore_mem>>) src(%arg12 : memref<16x64xf32, #tpu.memory_space<vmem>>) dst(%dma_wait3A_211 : memref<16x64xf32, #tpu.memory_space<hbm>>)
      } else {
      }
      %scan3A_152 = arith.constant 0 : i32
      %scan3A_153 = arith.constant 0 : i32
      %scan3A_154 = arith.constant 16 : i32
      %scan3A_155 = arith.addi %scan3A_153, %scan3A_154 : i32
      %scan3A_156 = arith.constant 1 : i32
      scf.for %scan3A_204 = %scan3A_153 to %scan3A_155 step %scan3A_156  : i32 {
        %mul3A_205 = arith.constant 50 : i32
        %mul3A_206 = arith.muli %scan3A_204, %mul3A_205 : i32
        %broadcast_in_dim3A = arith.constant 0.000000e+00 : f32
        %broadcast_in_dim3A_207 = vector.broadcast %broadcast_in_dim3A : f32 to vector<16xf32>
        %scan3A_208 = arith.constant 0 : i32
        %scan3A_209 = arith.constant 25 : i32
        %scan3A_210 = arith.addi %scan3A_208, %scan3A_209 : i32
        %scan3A_211 = arith.constant 1 : i32
        %scan3A_212:4 = scf.for %scan3A_233 = %scan3A_208 to %scan3A_210 step %scan3A_211 iter_args(%scan3A_234 = %broadcast_in_dim3A_207, %scan3A_235 = %broadcast_in_dim3A_207, %scan3A_236 = %broadcast_in_dim3A_207, %scan3A_237 = %broadcast_in_dim3A_207) -> (vector<16xf32>, vector<16xf32>, vector<16xf32>, vector<16xf32>)  : i32 {
          %mul3A_238 = arith.constant 2 : i32
          %mul3A_239 = arith.muli %scan3A_233, %mul3A_238 : i32
          %add3A_240 = arith.addi %mul3A_206, %mul3A_239 : i32
          %add3A_241 = arith.constant 1 : i32
          %add3A_242 = arith.addi %add3A_240, %add3A_241 : i32
          %mul3A_243 = arith.constant 2 : i32
          %mul3A_244 = arith.muli %scan3A_233, %mul3A_243 : i32
          %add3A_245 = arith.addi %mul3A_206, %mul3A_244 : i32
          %jit3A = arith.constant 16 : i32
          %div3A = arith.divsi %add3A_245, %jit3A : i32
          %sign3A = arith.constant 0 : i32
          %sign3A_246 = arith.cmpi sgt, %add3A_245, %sign3A : i32
          %sign3A_247 = arith.extui %sign3A_246 : i1 to i32
          %sign3A_248 = arith.constant 0 : i32
          %sign3A_249 = arith.cmpi slt, %add3A_245, %sign3A_248 : i32
          %sign3A_250 = arith.extui %sign3A_249 : i1 to i32
          %sign3A_251 = arith.subi %sign3A_247, %sign3A_250 : i32
          %sign3A_252 = arith.constant 0 : i32
          %sign3A_253 = arith.cmpi sgt, %jit3A, %sign3A_252 : i32
          %sign3A_254 = arith.extui %sign3A_253 : i1 to i32
          %sign3A_255 = arith.constant 0 : i32
          %sign3A_256 = arith.cmpi slt, %jit3A, %sign3A_255 : i32
          %sign3A_257 = arith.extui %sign3A_256 : i1 to i32
          %sign3A_258 = arith.subi %sign3A_254, %sign3A_257 : i32
          %ne3A = arith.cmpi ne, %sign3A_251, %sign3A_258 : i32
          %rem3A = arith.remsi %add3A_245, %jit3A : i32
          %ne3A_259 = arith.constant 0 : i32
          %ne3A_260 = arith.cmpi ne, %rem3A, %ne3A_259 : i32
          %and3A = arith.andi %ne3A, %ne3A_260 : i1
          %sub3A = arith.constant 1 : i32
          %sub3A_261 = arith.subi %div3A, %sub3A : i32
          %select_n3A = arith.select %and3A, %sub3A_261, %div3A : i32
          %mul3A_262 = arith.constant 16 : i32
          %mul3A_263 = arith.muli %select_n3A, %mul3A_262 : i32
          %multiple_of3A_264 = tpu.assume_multiple %mul3A_263, 16 : i32
          %get3A = arith.index_cast %multiple_of3A_264 : i32 to index
          %get3A_265 = tpu.vector_load %arg8[%get3A] {strides = array<i32>} : memref<800xf32, #tpu.memory_space<vmem>>, vector<16xf32>,
          %get3A_266 = vector.shape_cast %get3A_265 : vector<16xf32> to vector<16xf32>
          %iota3A = tpu.iota {dimensions = array<i32: 0>} : vector<16xi32>
          %mul3A_267 = arith.constant 0 : i32
          %mul3A_268 = vector.broadcast %mul3A_267 : i32 to vector<16xi32>
          %mul3A_269 = arith.muli %iota3A, %mul3A_268 : vector<16xi32>
          %sub3A_270 = arith.subi %add3A_245, %multiple_of3A_264 : i32
          %add3A_271 = vector.broadcast %sub3A_270 : i32 to vector<16xi32>
          %add3A_272 = arith.addi %mul3A_269, %add3A_271 : vector<16xi32>
          %lt3A_273 = arith.constant 0 : i32
          %lt3A_274 = vector.broadcast %lt3A_273 : i32 to vector<16xi32>
          %lt3A_275 = arith.cmpi slt, %add3A_272, %lt3A_274 : vector<16xi32>
          %add3A_276 = arith.constant 16 : i32
          %add3A_277 = vector.broadcast %add3A_276 : i32 to vector<16xi32>
          %add3A_278 = arith.addi %add3A_272, %add3A_277 : vector<16xi32>
          %select_n3A_279 = arith.select %lt3A_275, %add3A_278, %add3A_272 : vector<16xi1>, vector<16xi32>
          %broadcast_in_dim3A_280 = vector.shape_cast %select_n3A_279 : vector<16xi32> to vector<16x1xi32>
          %gather3A = vector.shape_cast %broadcast_in_dim3A_280 : vector<16x1xi32> to vector<16xi32>
          %gather3A_281 = tpu.dynamic_gather %get3A_266[%gather3A] in [0] : vector<16xf32>, vector<16xi32> -> vector<16xf32>
          %get3A_282 = arith.index_cast %add3A_245 : i32 to index
          %get3A_283 = arith.constant 0 : index
          %get3A_284 = tpu.vector_load %arg10[%get3A_282, %get3A_283] {strides = array<i32>} : memref<800x64xf32, #tpu.memory_space<vmem>>, vector<1x16xf32>,
          %get3A_285 = vector.shape_cast %get3A_284 : vector<1x16xf32> to vector<16xf32>
          %mul3A_286 = arith.mulf %get3A_285, %gather3A_281 : vector<16xf32>
          %add3A_287 = arith.addf %scan3A_234, %mul3A_286 : vector<16xf32>
          %get3A_288 = arith.index_cast %add3A_245 : i32 to index
          %get3A_289 = arith.constant 16 : index
          %get3A_290 = tpu.vector_load %arg10[%get3A_288, %get3A_289] {strides = array<i32>} : memref<800x64xf32, #tpu.memory_space<vmem>>, vector<1x16xf32>,
          %get3A_291 = vector.shape_cast %get3A_290 : vector<1x16xf32> to vector<16xf32>
          %mul3A_292 = arith.mulf %get3A_291, %gather3A_281 : vector<16xf32>
          %add3A_293 = arith.addf %scan3A_235, %mul3A_292 : vector<16xf32>
          %get3A_294 = arith.index_cast %add3A_245 : i32 to index
          %get3A_295 = arith.constant 32 : index
          %get3A_296 = tpu.vector_load %arg10[%get3A_294, %get3A_295] {strides = array<i32>} : memref<800x64xf32, #tpu.memory_space<vmem>>, vector<1x16xf32>,
          %get3A_297 = vector.shape_cast %get3A_296 : vector<1x16xf32> to vector<16xf32>
          %mul3A_298 = arith.mulf %get3A_297, %gather3A_281 : vector<16xf32>
          %add3A_299 = arith.addf %scan3A_236, %mul3A_298 : vector<16xf32>
          %get3A_300 = arith.index_cast %add3A_245 : i32 to index
          %get3A_301 = arith.constant 48 : index
          %get3A_302 = tpu.vector_load %arg10[%get3A_300, %get3A_301] {strides = array<i32>} : memref<800x64xf32, #tpu.memory_space<vmem>>, vector<1x16xf32>,
          %get3A_303 = vector.shape_cast %get3A_302 : vector<1x16xf32> to vector<16xf32>
          %mul3A_304 = arith.mulf %get3A_303, %gather3A_281 : vector<16xf32>
          %add3A_305 = arith.addf %scan3A_237, %mul3A_304 : vector<16xf32>
          %jit3A_306 = arith.constant 16 : i32
          %div3A_307 = arith.divsi %add3A_242, %jit3A_306 : i32
          %sign3A_308 = arith.constant 0 : i32
          %sign3A_309 = arith.cmpi sgt, %add3A_242, %sign3A_308 : i32
          %sign3A_310 = arith.extui %sign3A_309 : i1 to i32
          %sign3A_311 = arith.constant 0 : i32
          %sign3A_312 = arith.cmpi slt, %add3A_242, %sign3A_311 : i32
          %sign3A_313 = arith.extui %sign3A_312 : i1 to i32
          %sign3A_314 = arith.subi %sign3A_310, %sign3A_313 : i32
          %sign3A_315 = arith.constant 0 : i32
          %sign3A_316 = arith.cmpi sgt, %jit3A_306, %sign3A_315 : i32
          %sign3A_317 = arith.extui %sign3A_316 : i1 to i32
          %sign3A_318 = arith.constant 0 : i32
          %sign3A_319 = arith.cmpi slt, %jit3A_306, %sign3A_318 : i32
          %sign3A_320 = arith.extui %sign3A_319 : i1 to i32
          %sign3A_321 = arith.subi %sign3A_317, %sign3A_320 : i32
          %ne3A_322 = arith.cmpi ne, %sign3A_314, %sign3A_321 : i32
          %rem3A_323 = arith.remsi %add3A_242, %jit3A_306 : i32
          %ne3A_324 = arith.constant 0 : i32
          %ne3A_325 = arith.cmpi ne, %rem3A_323, %ne3A_324 : i32
          %and3A_326 = arith.andi %ne3A_322, %ne3A_325 : i1
          %sub3A_327 = arith.constant 1 : i32
          %sub3A_328 = arith.subi %div3A_307, %sub3A_327 : i32
          %select_n3A_329 = arith.select %and3A_326, %sub3A_328, %div3A_307 : i32
          %mul3A_330 = arith.constant 16 : i32
          %mul3A_331 = arith.muli %select_n3A_329, %mul3A_330 : i32
          %multiple_of3A_332 = tpu.assume_multiple %mul3A_331, 16 : i32
          %get3A_333 = arith.index_cast %multiple_of3A_332 : i32 to index
          %get3A_334 = tpu.vector_load %arg8[%get3A_333] {strides = array<i32>} : memref<800xf32, #tpu.memory_space<vmem>>, vector<16xf32>,
          %get3A_335 = vector.shape_cast %get3A_334 : vector<16xf32> to vector<16xf32>
          %iota3A_336 = tpu.iota {dimensions = array<i32: 0>} : vector<16xi32>
          %mul3A_337 = arith.constant 0 : i32
          %mul3A_338 = vector.broadcast %mul3A_337 : i32 to vector<16xi32>
          %mul3A_339 = arith.muli %iota3A_336, %mul3A_338 : vector<16xi32>
          %sub3A_340 = arith.subi %add3A_242, %multiple_of3A_332 : i32
          %add3A_341 = vector.broadcast %sub3A_340 : i32 to vector<16xi32>
          %add3A_342 = arith.addi %mul3A_339, %add3A_341 : vector<16xi32>
          %lt3A_343 = arith.constant 0 : i32
          %lt3A_344 = vector.broadcast %lt3A_343 : i32 to vector<16xi32>
          %lt3A_345 = arith.cmpi slt, %add3A_342, %lt3A_344 : vector<16xi32>
          %add3A_346 = arith.constant 16 : i32
          %add3A_347 = vector.broadcast %add3A_346 : i32 to vector<16xi32>
          %add3A_348 = arith.addi %add3A_342, %add3A_347 : vector<16xi32>
          %select_n3A_349 = arith.select %lt3A_345, %add3A_348, %add3A_342 : vector<16xi1>, vector<16xi32>
          %broadcast_in_dim3A_350 = vector.shape_cast %select_n3A_349 : vector<16xi32> to vector<16x1xi32>
          %gather3A_351 = vector.shape_cast %broadcast_in_dim3A_350 : vector<16x1xi32> to vector<16xi32>
          %gather3A_352 = tpu.dynamic_gather %get3A_335[%gather3A_351] in [0] : vector<16xf32>, vector<16xi32> -> vector<16xf32>
          %get3A_353 = arith.index_cast %add3A_242 : i32 to index
          %get3A_354 = arith.constant 0 : index
          %get3A_355 = tpu.vector_load %arg10[%get3A_353, %get3A_354] {strides = array<i32>} : memref<800x64xf32, #tpu.memory_space<vmem>>, vector<1x16xf32>,
          %get3A_356 = vector.shape_cast %get3A_355 : vector<1x16xf32> to vector<16xf32>
          %mul3A_357 = arith.mulf %get3A_356, %gather3A_352 : vector<16xf32>
          %add3A_358 = arith.addf %add3A_287, %mul3A_357 : vector<16xf32>
          %get3A_359 = arith.index_cast %add3A_242 : i32 to index
          %get3A_360 = arith.constant 16 : index
          %get3A_361 = tpu.vector_load %arg10[%get3A_359, %get3A_360] {strides = array<i32>} : memref<800x64xf32, #tpu.memory_space<vmem>>, vector<1x16xf32>,
          %get3A_362 = vector.shape_cast %get3A_361 : vector<1x16xf32> to vector<16xf32>
          %mul3A_363 = arith.mulf %get3A_362, %gather3A_352 : vector<16xf32>
          %add3A_364 = arith.addf %add3A_293, %mul3A_363 : vector<16xf32>
          %get3A_365 = arith.index_cast %add3A_242 : i32 to index
          %get3A_366 = arith.constant 32 : index
          %get3A_367 = tpu.vector_load %arg10[%get3A_365, %get3A_366] {strides = array<i32>} : memref<800x64xf32, #tpu.memory_space<vmem>>, vector<1x16xf32>,
          %get3A_368 = vector.shape_cast %get3A_367 : vector<1x16xf32> to vector<16xf32>
          %mul3A_369 = arith.mulf %get3A_368, %gather3A_352 : vector<16xf32>
          %add3A_370 = arith.addf %add3A_299, %mul3A_369 : vector<16xf32>
          %get3A_371 = arith.index_cast %add3A_242 : i32 to index
          %get3A_372 = arith.constant 48 : index
          %get3A_373 = tpu.vector_load %arg10[%get3A_371, %get3A_372] {strides = array<i32>} : memref<800x64xf32, #tpu.memory_space<vmem>>, vector<1x16xf32>,
          %get3A_374 = vector.shape_cast %get3A_373 : vector<1x16xf32> to vector<16xf32>
          %mul3A_375 = arith.mulf %get3A_374, %gather3A_352 : vector<16xf32>
          %add3A_376 = arith.addf %add3A_305, %mul3A_375 : vector<16xf32>
          scf.yield %add3A_358, %add3A_364, %add3A_370, %add3A_376 : vector<16xf32>, vector<16xf32>, vector<16xf32>, vector<16xf32>
        }
        %scan3A_213 = arith.constant 25 : i32
        %swap3A = arith.index_cast %scan3A_204 : i32 to index
        %swap3A_214 = arith.constant 0 : index
        %swap3A_215 = tpu.vector_load %arg12[%swap3A, %swap3A_214] {strides = array<i32>} : memref<16x64xf32, #tpu.memory_space<vmem>>, vector<1x16xf32>,
        %swap3A_216 = vector.shape_cast %swap3A_215 : vector<1x16xf32> to vector<16xf32>
        %swap3A_217 = vector.shape_cast %scan3A_212#0 : vector<16xf32> to vector<1x16xf32>
        tpu.vector_store %arg12[%swap3A, %swap3A_214], %swap3A_217 {strides = array<i32>} : memref<16x64xf32, #tpu.memory_space<vmem>>, vector<1x16xf32>,
        %swap3A_218 = arith.index_cast %scan3A_204 : i32 to index
        %swap3A_219 = arith.constant 16 : index
        %swap3A_220 = tpu.vector_load %arg12[%swap3A_218, %swap3A_219] {strides = array<i32>} : memref<16x64xf32, #tpu.memory_space<vmem>>, vector<1x16xf32>,
        %swap3A_221 = vector.shape_cast %swap3A_220 : vector<1x16xf32> to vector<16xf32>
        %swap3A_222 = vector.shape_cast %scan3A_212#1 : vector<16xf32> to vector<1x16xf32>
        tpu.vector_store %arg12[%swap3A_218, %swap3A_219], %swap3A_222 {strides = array<i32>} : memref<16x64xf32, #tpu.memory_space<vmem>>, vector<1x16xf32>,
        %swap3A_223 = arith.index_cast %scan3A_204 : i32 to index
        %swap3A_224 = arith.constant 32 : index
        %swap3A_225 = tpu.vector_load %arg12[%swap3A_223, %swap3A_224] {strides = array<i32>} : memref<16x64xf32, #tpu.memory_space<vmem>>, vector<1x16xf32>,
        %swap3A_226 = vector.shape_cast %swap3A_225 : vector<1x16xf32> to vector<16xf32>
        %swap3A_227 = vector.shape_cast %scan3A_212#2 : vector<16xf32> to vector<1x16xf32>
        tpu.vector_store %arg12[%swap3A_223, %swap3A_224], %swap3A_227 {strides = array<i32>} : memref<16x64xf32, #tpu.memory_space<vmem>>, vector<1x16xf32>,
        %swap3A_228 = arith.index_cast %scan3A_204 : i32 to index
        %swap3A_229 = arith.constant 48 : index
        %swap3A_230 = tpu.vector_load %arg12[%swap3A_228, %swap3A_229] {strides = array<i32>} : memref<16x64xf32, #tpu.memory_space<vmem>>, vector<1x16xf32>,
        %swap3A_231 = vector.shape_cast %swap3A_230 : vector<1x16xf32> to vector<16xf32>
        %swap3A_232 = vector.shape_cast %scan3A_212#3 : vector<16xf32> to vector<1x16xf32>
        tpu.vector_store %arg12[%swap3A_228, %swap3A_229], %swap3A_232 {strides = array<i32>} : memref<16x64xf32, #tpu.memory_space<vmem>>, vector<1x16xf32>,
      }
      %scan3A_157 = arith.constant 16 : i32
      %mul3A_158 = arith.constant 16 : i32
      %mul3A_159 = arith.muli %add3A_133, %mul3A_158 : i32
      %add3A_160 = arith.addi %mul3A_4, %mul3A_159 : i32
      %dma_start3A_161 = arith.constant 0 : i32
      %dma_start3A_162 = tpu.memref_slice %arg5[%add3A_160, %dma_start3A_161] : memref<16384x64xf32, #tpu.memory_space<hbm>> -> memref<16x64xf32, #tpu.memory_space<hbm>>
      %dma_start3A_163 = arith.constant 0 : i32
      %dma_start3A_164 = tpu.memref_slice %arg5[%add3A_160, %dma_start3A_163] : memref<16384x64xf32, #tpu.memory_space<hbm>> -> memref<16x64xf32, #tpu.memory_space<hbm>>
      tpu.enqueue_dma source(%arg12 : memref<16x64xf32, #tpu.memory_space<vmem>>) target(%dma_start3A_164 : memref<16x64xf32, #tpu.memory_space<hbm>>) target_semaphore(%arg18 : memref<!tpu.dma_semaphore, #tpu.memory_space<semaphore_mem>>)
      %mul3A_165 = arith.constant 2 : i32
      %mul3A_166 = arith.muli %scan3A_129, %mul3A_165 : i32
      %add3A_167 = arith.constant 1 : i32
      %add3A_168 = arith.addi %mul3A_166, %add3A_167 : i32
      %add3A_169 = arith.constant 1 : i32
      %add3A_170 = arith.addi %add3A_168, %add3A_169 : i32
      %lt3A_171 = arith.constant 32 : i32
      %lt3A_172 = arith.cmpi slt, %add3A_170, %lt3A_171 : i32
      %convert_element_type3A_173 = arith.extui %lt3A_172 : i1 to i32
      %cond3A_174 = arith.constant 0 : i32
      %cond3A_175 = arith.cmpi ne, %convert_element_type3A_173, %cond3A_174 : i32
      scf.if %cond3A_175 {
        %add3A_204 = arith.constant 1 : i32
        %add3A_205 = arith.addi %add3A_168, %add3A_204 : i32
        %mul3A_206 = arith.constant 800 : i32
        %mul3A_207 = arith.muli %add3A_205, %mul3A_206 : i32
        %add3A_208 = arith.addi %mul3A_2, %mul3A_207 : i32
        %multiple_of3A_209 = tpu.assume_multiple %add3A_208, 8 : i32
        %dma_wait3A_210 = tpu.memref_slice %arg2[%multiple_of3A_209] : memref<819200xi32, #tpu.memory_space<hbm>> -> memref<800xi32, #tpu.memory_space<hbm>>
        %dma_wait3A_211 = tpu.memref_slice %arg2[%multiple_of3A_209] : memref<819200xi32, #tpu.memory_space<hbm>> -> memref<800xi32, #tpu.memory_space<hbm>>
        tpu.wait_dma2 semaphore(%arg14 : memref<!tpu.dma_semaphore, #tpu.memory_space<semaphore_mem>>) src(%dma_wait3A_211 : memref<800xi32, #tpu.memory_space<hbm>>) dst(%arg6 : memref<800xi32, #tpu.memory_space<vmem>>)
        %mul3A_212 = arith.constant 800 : i32
        %mul3A_213 = arith.muli %add3A_205, %mul3A_212 : i32
        %add3A_214 = arith.addi %mul3A_2, %mul3A_213 : i32
        %multiple_of3A_215 = tpu.assume_multiple %add3A_214, 8 : i32
        %dma_wait3A_216 = tpu.memref_slice %arg3[%multiple_of3A_215] : memref<819200xf32, #tpu.memory_space<hbm>> -> memref<800xf32, #tpu.memory_space<hbm>>
        %dma_wait3A_217 = tpu.memref_slice %arg3[%multiple_of3A_215] : memref<819200xf32, #tpu.memory_space<hbm>> -> memref<800xf32, #tpu.memory_space<hbm>>
        tpu.wait_dma2 semaphore(%arg14 : memref<!tpu.dma_semaphore, #tpu.memory_space<semaphore_mem>>) src(%dma_wait3A_217 : memref<800xf32, #tpu.memory_space<hbm>>) dst(%arg8 : memref<800xf32, #tpu.memory_space<vmem>>)
        %dma_start3A_218 = arith.constant 0 : i32
        %dma_start3A_219 = arith.constant 0 : i32
        %dma_start3A_220 = tpu.memref_slice %arg10[%dma_start3A_218, %dma_start3A_219] : memref<800x64xf32, #tpu.memory_space<vmem>> -> memref<80x64xf32, #tpu.memory_space<vmem>>
        %dma_start3A_221 = arith.constant 0 : i32
        %dma_start3A_222 = tpu.memref_slice %arg6[%dma_start3A_221] : memref<800xi32, #tpu.memory_space<vmem>> -> memref<80xi32, #tpu.memory_space<vmem>>
        %dma_start3A_223 = arith.constant 0 : i32
        %dma_start3A_224 = arith.constant 0 : i32
        %dma_start3A_225 = tpu.memref_slice %arg4[%dma_start3A_223, %dma_start3A_224] : memref<100001x64xf32, #tpu.memory_space<hbm>> -> memref<100001x64xf32, #tpu.memory_space<hbm>>
        tpu.enqueue_indirect_dma source(%dma_start3A_225 : memref<100001x64xf32, #tpu.memory_space<hbm>>) target(%dma_start3A_220 : memref<80x64xf32, #tpu.memory_space<vmem>>) offsets(%dma_start3A_222 : memref<80xi32, #tpu.memory_space<vmem>>) semaphore(%arg16 : memref<!tpu.dma_semaphore, #tpu.memory_space<semaphore_mem>>)
        %dma_start3A_226 = arith.constant 80 : i32
        %dma_start3A_227 = arith.constant 0 : i32
        %dma_start3A_228 = tpu.memref_slice %arg10[%dma_start3A_226, %dma_start3A_227] : memref<800x64xf32, #tpu.memory_space<vmem>> -> memref<80x64xf32, #tpu.memory_space<vmem>>
        %dma_start3A_229 = arith.constant 80 : i32
        %dma_start3A_230 = tpu.memref_slice %arg6[%dma_start3A_229] : memref<800xi32, #tpu.memory_space<vmem>> -> memref<80xi32, #tpu.memory_space<vmem>>
        %dma_start3A_231 = arith.constant 0 : i32
        %dma_start3A_232 = arith.constant 0 : i32
        %dma_start3A_233 = tpu.memref_slice %arg4[%dma_start3A_231, %dma_start3A_232] : memref<100001x64xf32, #tpu.memory_space<hbm>> -> memref<100001x64xf32, #tpu.memory_space<hbm>>
        tpu.enqueue_indirect_dma source(%dma_start3A_233 : memref<100001x64xf32, #tpu.memory_space<hbm>>) target(%dma_start3A_228 : memref<80x64xf32, #tpu.memory_space<vmem>>) offsets(%dma_start3A_230 : memref<80xi32, #tpu.memory_space<vmem>>) semaphore(%arg16 : memref<!tpu.dma_semaphore, #tpu.memory_space<semaphore_mem>>)
        %dma_start3A_234 = arith.constant 160 : i32
        %dma_start3A_235 = arith.constant 0 : i32
        %dma_start3A_236 = tpu.memref_slice %arg10[%dma_start3A_234, %dma_start3A_235] : memref<800x64xf32, #tpu.memory_space<vmem>> -> memref<80x64xf32, #tpu.memory_space<vmem>>
        %dma_start3A_237 = arith.constant 160 : i32
        %dma_start3A_238 = tpu.memref_slice %arg6[%dma_start3A_237] : memref<800xi32, #tpu.memory_space<vmem>> -> memref<80xi32, #tpu.memory_space<vmem>>
        %dma_start3A_239 = arith.constant 0 : i32
        %dma_start3A_240 = arith.constant 0 : i32
        %dma_start3A_241 = tpu.memref_slice %arg4[%dma_start3A_239, %dma_start3A_240] : memref<100001x64xf32, #tpu.memory_space<hbm>> -> memref<100001x64xf32, #tpu.memory_space<hbm>>
        tpu.enqueue_indirect_dma source(%dma_start3A_241 : memref<100001x64xf32, #tpu.memory_space<hbm>>) target(%dma_start3A_236 : memref<80x64xf32, #tpu.memory_space<vmem>>) offsets(%dma_start3A_238 : memref<80xi32, #tpu.memory_space<vmem>>) semaphore(%arg16 : memref<!tpu.dma_semaphore, #tpu.memory_space<semaphore_mem>>)
        %dma_start3A_242 = arith.constant 240 : i32
        %dma_start3A_243 = arith.constant 0 : i32
        %dma_start3A_244 = tpu.memref_slice %arg10[%dma_start3A_242, %dma_start3A_243] : memref<800x64xf32, #tpu.memory_space<vmem>> -> memref<80x64xf32, #tpu.memory_space<vmem>>
        %dma_start3A_245 = arith.constant 240 : i32
        %dma_start3A_246 = tpu.memref_slice %arg6[%dma_start3A_245] : memref<800xi32, #tpu.memory_space<vmem>> -> memref<80xi32, #tpu.memory_space<vmem>>
        %dma_start3A_247 = arith.constant 0 : i32
        %dma_start3A_248 = arith.constant 0 : i32
        %dma_start3A_249 = tpu.memref_slice %arg4[%dma_start3A_247, %dma_start3A_248] : memref<100001x64xf32, #tpu.memory_space<hbm>> -> memref<100001x64xf32, #tpu.memory_space<hbm>>
        tpu.enqueue_indirect_dma source(%dma_start3A_249 : memref<100001x64xf32, #tpu.memory_space<hbm>>) target(%dma_start3A_244 : memref<80x64xf32, #tpu.memory_space<vmem>>) offsets(%dma_start3A_246 : memref<80xi32, #tpu.memory_space<vmem>>) semaphore(%arg16 : memref<!tpu.dma_semaphore, #tpu.memory_space<semaphore_mem>>)
        %dma_start3A_250 = arith.constant 320 : i32
        %dma_start3A_251 = arith.constant 0 : i32
        %dma_start3A_252 = tpu.memref_slice %arg10[%dma_start3A_250, %dma_start3A_251] : memref<800x64xf32, #tpu.memory_space<vmem>> -> memref<80x64xf32, #tpu.memory_space<vmem>>
        %dma_start3A_253 = arith.constant 320 : i32
        %dma_start3A_254 = tpu.memref_slice %arg6[%dma_start3A_253] : memref<800xi32, #tpu.memory_space<vmem>> -> memref<80xi32, #tpu.memory_space<vmem>>
        %dma_start3A_255 = arith.constant 0 : i32
        %dma_start3A_256 = arith.constant 0 : i32
        %dma_start3A_257 = tpu.memref_slice %arg4[%dma_start3A_255, %dma_start3A_256] : memref<100001x64xf32, #tpu.memory_space<hbm>> -> memref<100001x64xf32, #tpu.memory_space<hbm>>
        tpu.enqueue_indirect_dma source(%dma_start3A_257 : memref<100001x64xf32, #tpu.memory_space<hbm>>) target(%dma_start3A_252 : memref<80x64xf32, #tpu.memory_space<vmem>>) offsets(%dma_start3A_254 : memref<80xi32, #tpu.memory_space<vmem>>) semaphore(%arg16 : memref<!tpu.dma_semaphore, #tpu.memory_space<semaphore_mem>>)
        %dma_start3A_258 = arith.constant 400 : i32
        %dma_start3A_259 = arith.constant 0 : i32
        %dma_start3A_260 = tpu.memref_slice %arg10[%dma_start3A_258, %dma_start3A_259] : memref<800x64xf32, #tpu.memory_space<vmem>> -> memref<80x64xf32, #tpu.memory_space<vmem>>
        %dma_start3A_261 = arith.constant 400 : i32
        %dma_start3A_262 = tpu.memref_slice %arg6[%dma_start3A_261] : memref<800xi32, #tpu.memory_space<vmem>> -> memref<80xi32, #tpu.memory_space<vmem>>
        %dma_start3A_263 = arith.constant 0 : i32
        %dma_start3A_264 = arith.constant 0 : i32
        %dma_start3A_265 = tpu.memref_slice %arg4[%dma_start3A_263, %dma_start3A_264] : memref<100001x64xf32, #tpu.memory_space<hbm>> -> memref<100001x64xf32, #tpu.memory_space<hbm>>
        tpu.enqueue_indirect_dma source(%dma_start3A_265 : memref<100001x64xf32, #tpu.memory_space<hbm>>) target(%dma_start3A_260 : memref<80x64xf32, #tpu.memory_space<vmem>>) offsets(%dma_start3A_262 : memref<80xi32, #tpu.memory_space<vmem>>) semaphore(%arg16 : memref<!tpu.dma_semaphore, #tpu.memory_space<semaphore_mem>>)
        %dma_start3A_266 = arith.constant 480 : i32
        %dma_start3A_267 = arith.constant 0 : i32
        %dma_start3A_268 = tpu.memref_slice %arg10[%dma_start3A_266, %dma_start3A_267] : memref<800x64xf32, #tpu.memory_space<vmem>> -> memref<80x64xf32, #tpu.memory_space<vmem>>
        %dma_start3A_269 = arith.constant 480 : i32
        %dma_start3A_270 = tpu.memref_slice %arg6[%dma_start3A_269] : memref<800xi32, #tpu.memory_space<vmem>> -> memref<80xi32, #tpu.memory_space<vmem>>
        %dma_start3A_271 = arith.constant 0 : i32
        %dma_start3A_272 = arith.constant 0 : i32
        %dma_start3A_273 = tpu.memref_slice %arg4[%dma_start3A_271, %dma_start3A_272] : memref<100001x64xf32, #tpu.memory_space<hbm>> -> memref<100001x64xf32, #tpu.memory_space<hbm>>
        tpu.enqueue_indirect_dma source(%dma_start3A_273 : memref<100001x64xf32, #tpu.memory_space<hbm>>) target(%dma_start3A_268 : memref<80x64xf32, #tpu.memory_space<vmem>>) offsets(%dma_start3A_270 : memref<80xi32, #tpu.memory_space<vmem>>) semaphore(%arg16 : memref<!tpu.dma_semaphore, #tpu.memory_space<semaphore_mem>>)
        %dma_start3A_274 = arith.constant 560 : i32
        %dma_start3A_275 = arith.constant 0 : i32
        %dma_start3A_276 = tpu.memref_slice %arg10[%dma_start3A_274, %dma_start3A_275] : memref<800x64xf32, #tpu.memory_space<vmem>> -> memref<80x64xf32, #tpu.memory_space<vmem>>
        %dma_start3A_277 = arith.constant 560 : i32
        %dma_start3A_278 = tpu.memref_slice %arg6[%dma_start3A_277] : memref<800xi32, #tpu.memory_space<vmem>> -> memref<80xi32, #tpu.memory_space<vmem>>
        %dma_start3A_279 = arith.constant 0 : i32
        %dma_start3A_280 = arith.constant 0 : i32
        %dma_start3A_281 = tpu.memref_slice %arg4[%dma_start3A_279, %dma_start3A_280] : memref<100001x64xf32, #tpu.memory_space<hbm>> -> memref<100001x64xf32, #tpu.memory_space<hbm>>
        tpu.enqueue_indirect_dma source(%dma_start3A_281 : memref<100001x64xf32, #tpu.memory_space<hbm>>) target(%dma_start3A_276 : memref<80x64xf32, #tpu.memory_space<vmem>>) offsets(%dma_start3A_278 : memref<80xi32, #tpu.memory_space<vmem>>) semaphore(%arg16 : memref<!tpu.dma_semaphore, #tpu.memory_space<semaphore_mem>>)
        %dma_start3A_282 = arith.constant 640 : i32
        %dma_start3A_283 = arith.constant 0 : i32
        %dma_start3A_284 = tpu.memref_slice %arg10[%dma_start3A_282, %dma_start3A_283] : memref<800x64xf32, #tpu.memory_space<vmem>> -> memref<80x64xf32, #tpu.memory_space<vmem>>
        %dma_start3A_285 = arith.constant 640 : i32
        %dma_start3A_286 = tpu.memref_slice %arg6[%dma_start3A_285] : memref<800xi32, #tpu.memory_space<vmem>> -> memref<80xi32, #tpu.memory_space<vmem>>
        %dma_start3A_287 = arith.constant 0 : i32
        %dma_start3A_288 = arith.constant 0 : i32
        %dma_start3A_289 = tpu.memref_slice %arg4[%dma_start3A_287, %dma_start3A_288] : memref<100001x64xf32, #tpu.memory_space<hbm>> -> memref<100001x64xf32, #tpu.memory_space<hbm>>
        tpu.enqueue_indirect_dma source(%dma_start3A_289 : memref<100001x64xf32, #tpu.memory_space<hbm>>) target(%dma_start3A_284 : memref<80x64xf32, #tpu.memory_space<vmem>>) offsets(%dma_start3A_286 : memref<80xi32, #tpu.memory_space<vmem>>) semaphore(%arg16 : memref<!tpu.dma_semaphore, #tpu.memory_space<semaphore_mem>>)
        %dma_start3A_290 = arith.constant 720 : i32
        %dma_start3A_291 = arith.constant 0 : i32
        %dma_start3A_292 = tpu.memref_slice %arg10[%dma_start3A_290, %dma_start3A_291] : memref<800x64xf32, #tpu.memory_space<vmem>> -> memref<80x64xf32, #tpu.memory_space<vmem>>
        %dma_start3A_293 = arith.constant 720 : i32
        %dma_start3A_294 = tpu.memref_slice %arg6[%dma_start3A_293] : memref<800xi32, #tpu.memory_space<vmem>> -> memref<80xi32, #tpu.memory_space<vmem>>
        %dma_start3A_295 = arith.constant 0 : i32
        %dma_start3A_296 = arith.constant 0 : i32
        %dma_start3A_297 = tpu.memref_slice %arg4[%dma_start3A_295, %dma_start3A_296] : memref<100001x64xf32, #tpu.memory_space<hbm>> -> memref<100001x64xf32, #tpu.memory_space<hbm>>
        tpu.enqueue_indirect_dma source(%dma_start3A_297 : memref<100001x64xf32, #tpu.memory_space<hbm>>) target(%dma_start3A_292 : memref<80x64xf32, #tpu.memory_space<vmem>>) offsets(%dma_start3A_294 : memref<80xi32, #tpu.memory_space<vmem>>) semaphore(%arg16 : memref<!tpu.dma_semaphore, #tpu.memory_space<semaphore_mem>>)
      } else {
      }
      %add3A_176 = arith.constant 2 : i32
      %add3A_177 = arith.addi %add3A_168, %add3A_176 : i32
      %lt3A_178 = arith.constant 32 : i32
      %lt3A_179 = arith.cmpi slt, %add3A_177, %lt3A_178 : i32
      %convert_element_type3A_180 = arith.extui %lt3A_179 : i1 to i32
      %cond3A_181 = arith.constant 0 : i32
      %cond3A_182 = arith.cmpi ne, %convert_element_type3A_180, %cond3A_181 : i32
      scf.if %cond3A_182 {
        %add3A_204 = arith.constant 2 : i32
        %add3A_205 = arith.addi %add3A_168, %add3A_204 : i32
        %mul3A_206 = arith.constant 800 : i32
        %mul3A_207 = arith.muli %add3A_205, %mul3A_206 : i32
        %add3A_208 = arith.addi %mul3A_2, %mul3A_207 : i32
        %multiple_of3A_209 = tpu.assume_multiple %add3A_208, 8 : i32
        %dma_start3A_210 = tpu.memref_slice %arg2[%multiple_of3A_209] : memref<819200xi32, #tpu.memory_space<hbm>> -> memref<800xi32, #tpu.memory_space<hbm>>
        %dma_start3A_211 = tpu.memref_slice %arg2[%multiple_of3A_209] : memref<819200xi32, #tpu.memory_space<hbm>> -> memref<800xi32, #tpu.memory_space<hbm>>
        tpu.enqueue_dma source(%dma_start3A_211 : memref<800xi32, #tpu.memory_space<hbm>>) target(%arg7 : memref<800xi32, #tpu.memory_space<vmem>>) target_semaphore(%arg15 : memref<!tpu.dma_semaphore, #tpu.memory_space<semaphore_mem>>)
        %mul3A_212 = arith.constant 800 : i32
        %mul3A_213 = arith.muli %add3A_205, %mul3A_212 : i32
        %add3A_214 = arith.addi %mul3A_2, %mul3A_213 : i32
        %multiple_of3A_215 = tpu.assume_multiple %add3A_214, 8 : i32
        %dma_start3A_216 = tpu.memref_slice %arg3[%multiple_of3A_215] : memref<819200xf32, #tpu.memory_space<hbm>> -> memref<800xf32, #tpu.memory_space<hbm>>
        %dma_start3A_217 = tpu.memref_slice %arg3[%multiple_of3A_215] : memref<819200xf32, #tpu.memory_space<hbm>> -> memref<800xf32, #tpu.memory_space<hbm>>
        tpu.enqueue_dma source(%dma_start3A_217 : memref<800xf32, #tpu.memory_space<hbm>>) target(%arg9 : memref<800xf32, #tpu.memory_space<vmem>>) target_semaphore(%arg15 : memref<!tpu.dma_semaphore, #tpu.memory_space<semaphore_mem>>)
      } else {
      }
      %dma_wait3A_183 = arith.constant 0 : i32
      %dma_wait3A_184 = arith.constant 0 : i32
      %dma_wait3A_185 = tpu.memref_slice %arg4[%dma_wait3A_183, %dma_wait3A_184] : memref<100001x64xf32, #tpu.memory_space<hbm>> -> memref<100001x64xf32, #tpu.memory_space<hbm>>
      tpu.wait_indirect_dma semaphore(%arg17 : memref<!tpu.dma_semaphore, #tpu.memory_space<semaphore_mem>>) src(%dma_wait3A_185 : memref<100001x64xf32, #tpu.memory_space<hbm>>) dst(%arg11 : memref<800x64xf32, #tpu.memory_space<vmem>>)
      %ge3A_186 = arith.constant 2 : i32
      %ge3A_187 = arith.cmpi sge, %add3A_168, %ge3A_186 : i32
      %convert_element_type3A_188 = arith.extui %ge3A_187 : i1 to i32
      %cond3A_189 = arith.constant 0 : i32
      %cond3A_190 = arith.cmpi ne, %convert_element_type3A_188, %cond3A_189 : i32
      scf.if %cond3A_190 {
        %sub3A = arith.constant 2 : i32
        %sub3A_204 = arith.subi %add3A_168, %sub3A : i32
        %mul3A_205 = arith.constant 16 : i32
        %mul3A_206 = arith.muli %sub3A_204, %mul3A_205 : i32
        %add3A_207 = arith.addi %mul3A_4, %mul3A_206 : i32
        %dma_wait3A_208 = arith.constant 0 : i32
        %dma_wait3A_209 = tpu.memref_slice %arg5[%add3A_207, %dma_wait3A_208] : memref<16384x64xf32, #tpu.memory_space<hbm>> -> memref<16x64xf32, #tpu.memory_space<hbm>>
        %dma_wait3A_210 = arith.constant 0 : i32
        %dma_wait3A_211 = tpu.memref_slice %arg5[%add3A_207, %dma_wait3A_210] : memref<16384x64xf32, #tpu.memory_space<hbm>> -> memref<16x64xf32, #tpu.memory_space<hbm>>
        tpu.wait_dma2 semaphore(%arg19 : memref<!tpu.dma_semaphore, #tpu.memory_space<semaphore_mem>>) src(%arg13 : memref<16x64xf32, #tpu.memory_space<vmem>>) dst(%dma_wait3A_211 : memref<16x64xf32, #tpu.memory_space<hbm>>)
      } else {
      }
      %scan3A_191 = arith.constant 0 : i32
      %scan3A_192 = arith.constant 0 : i32
      %scan3A_193 = arith.constant 16 : i32
      %scan3A_194 = arith.addi %scan3A_192, %scan3A_193 : i32
      %scan3A_195 = arith.constant 1 : i32
      scf.for %scan3A_204 = %scan3A_192 to %scan3A_194 step %scan3A_195  : i32 {
        %mul3A_205 = arith.constant 50 : i32
        %mul3A_206 = arith.muli %scan3A_204, %mul3A_205 : i32
        %broadcast_in_dim3A = arith.constant 0.000000e+00 : f32
        %broadcast_in_dim3A_207 = vector.broadcast %broadcast_in_dim3A : f32 to vector<16xf32>
        %scan3A_208 = arith.constant 0 : i32
        %scan3A_209 = arith.constant 25 : i32
        %scan3A_210 = arith.addi %scan3A_208, %scan3A_209 : i32
        %scan3A_211 = arith.constant 1 : i32
        %scan3A_212:4 = scf.for %scan3A_233 = %scan3A_208 to %scan3A_210 step %scan3A_211 iter_args(%scan3A_234 = %broadcast_in_dim3A_207, %scan3A_235 = %broadcast_in_dim3A_207, %scan3A_236 = %broadcast_in_dim3A_207, %scan3A_237 = %broadcast_in_dim3A_207) -> (vector<16xf32>, vector<16xf32>, vector<16xf32>, vector<16xf32>)  : i32 {
          %mul3A_238 = arith.constant 2 : i32
          %mul3A_239 = arith.muli %scan3A_233, %mul3A_238 : i32
          %add3A_240 = arith.addi %mul3A_206, %mul3A_239 : i32
          %add3A_241 = arith.constant 1 : i32
          %add3A_242 = arith.addi %add3A_240, %add3A_241 : i32
          %mul3A_243 = arith.constant 2 : i32
          %mul3A_244 = arith.muli %scan3A_233, %mul3A_243 : i32
          %add3A_245 = arith.addi %mul3A_206, %mul3A_244 : i32
          %jit3A = arith.constant 16 : i32
          %div3A = arith.divsi %add3A_245, %jit3A : i32
          %sign3A = arith.constant 0 : i32
          %sign3A_246 = arith.cmpi sgt, %add3A_245, %sign3A : i32
          %sign3A_247 = arith.extui %sign3A_246 : i1 to i32
          %sign3A_248 = arith.constant 0 : i32
          %sign3A_249 = arith.cmpi slt, %add3A_245, %sign3A_248 : i32
          %sign3A_250 = arith.extui %sign3A_249 : i1 to i32
          %sign3A_251 = arith.subi %sign3A_247, %sign3A_250 : i32
          %sign3A_252 = arith.constant 0 : i32
          %sign3A_253 = arith.cmpi sgt, %jit3A, %sign3A_252 : i32
          %sign3A_254 = arith.extui %sign3A_253 : i1 to i32
          %sign3A_255 = arith.constant 0 : i32
          %sign3A_256 = arith.cmpi slt, %jit3A, %sign3A_255 : i32
          %sign3A_257 = arith.extui %sign3A_256 : i1 to i32
          %sign3A_258 = arith.subi %sign3A_254, %sign3A_257 : i32
          %ne3A = arith.cmpi ne, %sign3A_251, %sign3A_258 : i32
          %rem3A = arith.remsi %add3A_245, %jit3A : i32
          %ne3A_259 = arith.constant 0 : i32
          %ne3A_260 = arith.cmpi ne, %rem3A, %ne3A_259 : i32
          %and3A = arith.andi %ne3A, %ne3A_260 : i1
          %sub3A = arith.constant 1 : i32
          %sub3A_261 = arith.subi %div3A, %sub3A : i32
          %select_n3A = arith.select %and3A, %sub3A_261, %div3A : i32
          %mul3A_262 = arith.constant 16 : i32
          %mul3A_263 = arith.muli %select_n3A, %mul3A_262 : i32
          %multiple_of3A_264 = tpu.assume_multiple %mul3A_263, 16 : i32
          %get3A = arith.index_cast %multiple_of3A_264 : i32 to index
          %get3A_265 = tpu.vector_load %arg9[%get3A] {strides = array<i32>} : memref<800xf32, #tpu.memory_space<vmem>>, vector<16xf32>,
          %get3A_266 = vector.shape_cast %get3A_265 : vector<16xf32> to vector<16xf32>
          %iota3A = tpu.iota {dimensions = array<i32: 0>} : vector<16xi32>
          %mul3A_267 = arith.constant 0 : i32
          %mul3A_268 = vector.broadcast %mul3A_267 : i32 to vector<16xi32>
          %mul3A_269 = arith.muli %iota3A, %mul3A_268 : vector<16xi32>
          %sub3A_270 = arith.subi %add3A_245, %multiple_of3A_264 : i32
          %add3A_271 = vector.broadcast %sub3A_270 : i32 to vector<16xi32>
          %add3A_272 = arith.addi %mul3A_269, %add3A_271 : vector<16xi32>
          %lt3A_273 = arith.constant 0 : i32
          %lt3A_274 = vector.broadcast %lt3A_273 : i32 to vector<16xi32>
          %lt3A_275 = arith.cmpi slt, %add3A_272, %lt3A_274 : vector<16xi32>
          %add3A_276 = arith.constant 16 : i32
          %add3A_277 = vector.broadcast %add3A_276 : i32 to vector<16xi32>
          %add3A_278 = arith.addi %add3A_272, %add3A_277 : vector<16xi32>
          %select_n3A_279 = arith.select %lt3A_275, %add3A_278, %add3A_272 : vector<16xi1>, vector<16xi32>
          %broadcast_in_dim3A_280 = vector.shape_cast %select_n3A_279 : vector<16xi32> to vector<16x1xi32>
          %gather3A = vector.shape_cast %broadcast_in_dim3A_280 : vector<16x1xi32> to vector<16xi32>
          %gather3A_281 = tpu.dynamic_gather %get3A_266[%gather3A] in [0] : vector<16xf32>, vector<16xi32> -> vector<16xf32>
          %get3A_282 = arith.index_cast %add3A_245 : i32 to index
          %get3A_283 = arith.constant 0 : index
          %get3A_284 = tpu.vector_load %arg11[%get3A_282, %get3A_283] {strides = array<i32>} : memref<800x64xf32, #tpu.memory_space<vmem>>, vector<1x16xf32>,
          %get3A_285 = vector.shape_cast %get3A_284 : vector<1x16xf32> to vector<16xf32>
          %mul3A_286 = arith.mulf %get3A_285, %gather3A_281 : vector<16xf32>
          %add3A_287 = arith.addf %scan3A_234, %mul3A_286 : vector<16xf32>
          %get3A_288 = arith.index_cast %add3A_245 : i32 to index
          %get3A_289 = arith.constant 16 : index
          %get3A_290 = tpu.vector_load %arg11[%get3A_288, %get3A_289] {strides = array<i32>} : memref<800x64xf32, #tpu.memory_space<vmem>>, vector<1x16xf32>,
          %get3A_291 = vector.shape_cast %get3A_290 : vector<1x16xf32> to vector<16xf32>
          %mul3A_292 = arith.mulf %get3A_291, %gather3A_281 : vector<16xf32>
          %add3A_293 = arith.addf %scan3A_235, %mul3A_292 : vector<16xf32>
          %get3A_294 = arith.index_cast %add3A_245 : i32 to index
          %get3A_295 = arith.constant 32 : index
          %get3A_296 = tpu.vector_load %arg11[%get3A_294, %get3A_295] {strides = array<i32>} : memref<800x64xf32, #tpu.memory_space<vmem>>, vector<1x16xf32>,
          %get3A_297 = vector.shape_cast %get3A_296 : vector<1x16xf32> to vector<16xf32>
          %mul3A_298 = arith.mulf %get3A_297, %gather3A_281 : vector<16xf32>
          %add3A_299 = arith.addf %scan3A_236, %mul3A_298 : vector<16xf32>
          %get3A_300 = arith.index_cast %add3A_245 : i32 to index
          %get3A_301 = arith.constant 48 : index
          %get3A_302 = tpu.vector_load %arg11[%get3A_300, %get3A_301] {strides = array<i32>} : memref<800x64xf32, #tpu.memory_space<vmem>>, vector<1x16xf32>,
          %get3A_303 = vector.shape_cast %get3A_302 : vector<1x16xf32> to vector<16xf32>
          %mul3A_304 = arith.mulf %get3A_303, %gather3A_281 : vector<16xf32>
          %add3A_305 = arith.addf %scan3A_237, %mul3A_304 : vector<16xf32>
          %jit3A_306 = arith.constant 16 : i32
          %div3A_307 = arith.divsi %add3A_242, %jit3A_306 : i32
          %sign3A_308 = arith.constant 0 : i32
          %sign3A_309 = arith.cmpi sgt, %add3A_242, %sign3A_308 : i32
          %sign3A_310 = arith.extui %sign3A_309 : i1 to i32
          %sign3A_311 = arith.constant 0 : i32
          %sign3A_312 = arith.cmpi slt, %add3A_242, %sign3A_311 : i32
          %sign3A_313 = arith.extui %sign3A_312 : i1 to i32
          %sign3A_314 = arith.subi %sign3A_310, %sign3A_313 : i32
          %sign3A_315 = arith.constant 0 : i32
          %sign3A_316 = arith.cmpi sgt, %jit3A_306, %sign3A_315 : i32
          %sign3A_317 = arith.extui %sign3A_316 : i1 to i32
          %sign3A_318 = arith.constant 0 : i32
          %sign3A_319 = arith.cmpi slt, %jit3A_306, %sign3A_318 : i32
          %sign3A_320 = arith.extui %sign3A_319 : i1 to i32
          %sign3A_321 = arith.subi %sign3A_317, %sign3A_320 : i32
          %ne3A_322 = arith.cmpi ne, %sign3A_314, %sign3A_321 : i32
          %rem3A_323 = arith.remsi %add3A_242, %jit3A_306 : i32
          %ne3A_324 = arith.constant 0 : i32
          %ne3A_325 = arith.cmpi ne, %rem3A_323, %ne3A_324 : i32
          %and3A_326 = arith.andi %ne3A_322, %ne3A_325 : i1
          %sub3A_327 = arith.constant 1 : i32
          %sub3A_328 = arith.subi %div3A_307, %sub3A_327 : i32
          %select_n3A_329 = arith.select %and3A_326, %sub3A_328, %div3A_307 : i32
          %mul3A_330 = arith.constant 16 : i32
          %mul3A_331 = arith.muli %select_n3A_329, %mul3A_330 : i32
          %multiple_of3A_332 = tpu.assume_multiple %mul3A_331, 16 : i32
          %get3A_333 = arith.index_cast %multiple_of3A_332 : i32 to index
          %get3A_334 = tpu.vector_load %arg9[%get3A_333] {strides = array<i32>} : memref<800xf32, #tpu.memory_space<vmem>>, vector<16xf32>,
          %get3A_335 = vector.shape_cast %get3A_334 : vector<16xf32> to vector<16xf32>
          %iota3A_336 = tpu.iota {dimensions = array<i32: 0>} : vector<16xi32>
          %mul3A_337 = arith.constant 0 : i32
          %mul3A_338 = vector.broadcast %mul3A_337 : i32 to vector<16xi32>
          %mul3A_339 = arith.muli %iota3A_336, %mul3A_338 : vector<16xi32>
          %sub3A_340 = arith.subi %add3A_242, %multiple_of3A_332 : i32
          %add3A_341 = vector.broadcast %sub3A_340 : i32 to vector<16xi32>
          %add3A_342 = arith.addi %mul3A_339, %add3A_341 : vector<16xi32>
          %lt3A_343 = arith.constant 0 : i32
          %lt3A_344 = vector.broadcast %lt3A_343 : i32 to vector<16xi32>
          %lt3A_345 = arith.cmpi slt, %add3A_342, %lt3A_344 : vector<16xi32>
          %add3A_346 = arith.constant 16 : i32
          %add3A_347 = vector.broadcast %add3A_346 : i32 to vector<16xi32>
          %add3A_348 = arith.addi %add3A_342, %add3A_347 : vector<16xi32>
          %select_n3A_349 = arith.select %lt3A_345, %add3A_348, %add3A_342 : vector<16xi1>, vector<16xi32>
          %broadcast_in_dim3A_350 = vector.shape_cast %select_n3A_349 : vector<16xi32> to vector<16x1xi32>
          %gather3A_351 = vector.shape_cast %broadcast_in_dim3A_350 : vector<16x1xi32> to vector<16xi32>
          %gather3A_352 = tpu.dynamic_gather %get3A_335[%gather3A_351] in [0] : vector<16xf32>, vector<16xi32> -> vector<16xf32>
          %get3A_353 = arith.index_cast %add3A_242 : i32 to index
          %get3A_354 = arith.constant 0 : index
          %get3A_355 = tpu.vector_load %arg11[%get3A_353, %get3A_354] {strides = array<i32>} : memref<800x64xf32, #tpu.memory_space<vmem>>, vector<1x16xf32>,
          %get3A_356 = vector.shape_cast %get3A_355 : vector<1x16xf32> to vector<16xf32>
          %mul3A_357 = arith.mulf %get3A_356, %gather3A_352 : vector<16xf32>
          %add3A_358 = arith.addf %add3A_287, %mul3A_357 : vector<16xf32>
          %get3A_359 = arith.index_cast %add3A_242 : i32 to index
          %get3A_360 = arith.constant 16 : index
          %get3A_361 = tpu.vector_load %arg11[%get3A_359, %get3A_360] {strides = array<i32>} : memref<800x64xf32, #tpu.memory_space<vmem>>, vector<1x16xf32>,
          %get3A_362 = vector.shape_cast %get3A_361 : vector<1x16xf32> to vector<16xf32>
          %mul3A_363 = arith.mulf %get3A_362, %gather3A_352 : vector<16xf32>
          %add3A_364 = arith.addf %add3A_293, %mul3A_363 : vector<16xf32>
          %get3A_365 = arith.index_cast %add3A_242 : i32 to index
          %get3A_366 = arith.constant 32 : index
          %get3A_367 = tpu.vector_load %arg11[%get3A_365, %get3A_366] {strides = array<i32>} : memref<800x64xf32, #tpu.memory_space<vmem>>, vector<1x16xf32>,
          %get3A_368 = vector.shape_cast %get3A_367 : vector<1x16xf32> to vector<16xf32>
          %mul3A_369 = arith.mulf %get3A_368, %gather3A_352 : vector<16xf32>
          %add3A_370 = arith.addf %add3A_299, %mul3A_369 : vector<16xf32>
          %get3A_371 = arith.index_cast %add3A_242 : i32 to index
          %get3A_372 = arith.constant 48 : index
          %get3A_373 = tpu.vector_load %arg11[%get3A_371, %get3A_372] {strides = array<i32>} : memref<800x64xf32, #tpu.memory_space<vmem>>, vector<1x16xf32>,
          %get3A_374 = vector.shape_cast %get3A_373 : vector<1x16xf32> to vector<16xf32>
          %mul3A_375 = arith.mulf %get3A_374, %gather3A_352 : vector<16xf32>
          %add3A_376 = arith.addf %add3A_305, %mul3A_375 : vector<16xf32>
          scf.yield %add3A_358, %add3A_364, %add3A_370, %add3A_376 : vector<16xf32>, vector<16xf32>, vector<16xf32>, vector<16xf32>
        }
        %scan3A_213 = arith.constant 25 : i32
        %swap3A = arith.index_cast %scan3A_204 : i32 to index
        %swap3A_214 = arith.constant 0 : index
        %swap3A_215 = tpu.vector_load %arg13[%swap3A, %swap3A_214] {strides = array<i32>} : memref<16x64xf32, #tpu.memory_space<vmem>>, vector<1x16xf32>,
        %swap3A_216 = vector.shape_cast %swap3A_215 : vector<1x16xf32> to vector<16xf32>
        %swap3A_217 = vector.shape_cast %scan3A_212#0 : vector<16xf32> to vector<1x16xf32>
        tpu.vector_store %arg13[%swap3A, %swap3A_214], %swap3A_217 {strides = array<i32>} : memref<16x64xf32, #tpu.memory_space<vmem>>, vector<1x16xf32>,
        %swap3A_218 = arith.index_cast %scan3A_204 : i32 to index
        %swap3A_219 = arith.constant 16 : index
        %swap3A_220 = tpu.vector_load %arg13[%swap3A_218, %swap3A_219] {strides = array<i32>} : memref<16x64xf32, #tpu.memory_space<vmem>>, vector<1x16xf32>,
        %swap3A_221 = vector.shape_cast %swap3A_220 : vector<1x16xf32> to vector<16xf32>
        %swap3A_222 = vector.shape_cast %scan3A_212#1 : vector<16xf32> to vector<1x16xf32>
        tpu.vector_store %arg13[%swap3A_218, %swap3A_219], %swap3A_222 {strides = array<i32>} : memref<16x64xf32, #tpu.memory_space<vmem>>, vector<1x16xf32>,
        %swap3A_223 = arith.index_cast %scan3A_204 : i32 to index
        %swap3A_224 = arith.constant 32 : index
        %swap3A_225 = tpu.vector_load %arg13[%swap3A_223, %swap3A_224] {strides = array<i32>} : memref<16x64xf32, #tpu.memory_space<vmem>>, vector<1x16xf32>,
        %swap3A_226 = vector.shape_cast %swap3A_225 : vector<1x16xf32> to vector<16xf32>
        %swap3A_227 = vector.shape_cast %scan3A_212#2 : vector<16xf32> to vector<1x16xf32>
        tpu.vector_store %arg13[%swap3A_223, %swap3A_224], %swap3A_227 {strides = array<i32>} : memref<16x64xf32, #tpu.memory_space<vmem>>, vector<1x16xf32>,
        %swap3A_228 = arith.index_cast %scan3A_204 : i32 to index
        %swap3A_229 = arith.constant 48 : index
        %swap3A_230 = tpu.vector_load %arg13[%swap3A_228, %swap3A_229] {strides = array<i32>} : memref<16x64xf32, #tpu.memory_space<vmem>>, vector<1x16xf32>,
        %swap3A_231 = vector.shape_cast %swap3A_230 : vector<1x16xf32> to vector<16xf32>
        %swap3A_232 = vector.shape_cast %scan3A_212#3 : vector<16xf32> to vector<1x16xf32>
        tpu.vector_store %arg13[%swap3A_228, %swap3A_229], %swap3A_232 {strides = array<i32>} : memref<16x64xf32, #tpu.memory_space<vmem>>, vector<1x16xf32>,
      }
      %scan3A_196 = arith.constant 16 : i32
      %mul3A_197 = arith.constant 16 : i32
      %mul3A_198 = arith.muli %add3A_168, %mul3A_197 : i32
      %add3A_199 = arith.addi %mul3A_4, %mul3A_198 : i32
      %dma_start3A_200 = arith.constant 0 : i32
      %dma_start3A_201 = tpu.memref_slice %arg5[%add3A_199, %dma_start3A_200] : memref<16384x64xf32, #tpu.memory_space<hbm>> -> memref<16x64xf32, #tpu.memory_space<hbm>>
      %dma_start3A_202 = arith.constant 0 : i32
      %dma_start3A_203 = tpu.memref_slice %arg5[%add3A_199, %dma_start3A_202] : memref<16384x64xf32, #tpu.memory_space<hbm>> -> memref<16x64xf32, #tpu.memory_space<hbm>>
      tpu.enqueue_dma source(%arg13 : memref<16x64xf32, #tpu.memory_space<vmem>>) target(%dma_start3A_203 : memref<16x64xf32, #tpu.memory_space<hbm>>) target_semaphore(%arg19 : memref<!tpu.dma_semaphore, #tpu.memory_space<semaphore_mem>>)
    }
    %scan3A_116 = arith.constant 16 : i32
    %add3A_117 = arith.constant 480 : i32
    %add3A_118 = arith.addi %mul3A_4, %add3A_117 : i32
    %dma_wait3A_119 = arith.constant 0 : i32
    %dma_wait3A_120 = tpu.memref_slice %arg5[%add3A_118, %dma_wait3A_119] : memref<16384x64xf32, #tpu.memory_space<hbm>> -> memref<16x64xf32, #tpu.memory_space<hbm>>
    %dma_wait3A_121 = arith.constant 0 : i32
    %dma_wait3A_122 = tpu.memref_slice %arg5[%add3A_118, %dma_wait3A_121] : memref<16384x64xf32, #tpu.memory_space<hbm>> -> memref<16x64xf32, #tpu.memory_space<hbm>>
    tpu.wait_dma2 semaphore(%arg18 : memref<!tpu.dma_semaphore, #tpu.memory_space<semaphore_mem>>) src(%arg12 : memref<16x64xf32, #tpu.memory_space<vmem>>) dst(%dma_wait3A_122 : memref<16x64xf32, #tpu.memory_space<hbm>>)
    %add3A_123 = arith.constant 496 : i32
    %add3A_124 = arith.addi %mul3A_4, %add3A_123 : i32
    %dma_wait3A_125 = arith.constant 0 : i32
    %dma_wait3A_126 = tpu.memref_slice %arg5[%add3A_124, %dma_wait3A_125] : memref<16384x64xf32, #tpu.memory_space<hbm>> -> memref<16x64xf32, #tpu.memory_space<hbm>>
    %dma_wait3A_127 = arith.constant 0 : i32
    %dma_wait3A_128 = tpu.memref_slice %arg5[%add3A_124, %dma_wait3A_127] : memref<16384x64xf32, #tpu.memory_space<hbm>> -> memref<16x64xf32, #tpu.memory_space<hbm>>
    tpu.wait_dma2 semaphore(%arg19 : memref<!tpu.dma_semaphore, #tpu.memory_space<semaphore_mem>>) src(%arg13 : memref<16x64xf32, #tpu.memory_space<vmem>>) dst(%dma_wait3A_128 : memref<16x64xf32, #tpu.memory_space<hbm>>)
    return
  }
}

</mosaic_0001>

<sc_bundles>
// kernel: _run.3.cloned.1.call-start
scs
__scs_entry_jumppad:
0x0: {  	(pc) =	sbr.rel $0x88, $3  }
0x1: {  	(tag) =	ssettag $0x0;
	lr =	simm.s32 $0x1  }
0x2: {  	[smem:$0x3F9E] =	sst lr;
	_ =	strace $0xD0000000  }
0x3: {  	_ = 	snop  }
0x4: {  	_ = 	snop  }
0x5: {  	_ = 	snop  }
0x6: {  	_ = 	snop  }
0x7: {  	_ = 	snop  }
__scs_overlays_trampoline_lowered:
0x8: {  	[smem:$0x3FAD] =	sst s0  }
0x9: {  	[smem:$0x3FAE] =	sst s1  }
0xa: {  	[smem:$0x3FAF] =	sst s2  }
0xb: {  	[smem:$0x3FB0] =	sst s3  }
0xc: {  	[smem:$0x3FB1] =	sst s4  }
0xd: {  	[smem:$0x3FB2] =	sst s5  }
0xe: {  	[smem:$0x3FB3] =	sst s6  }
0xf: {  	[smem:$0x3FB4] =	sst s7  }
0x10: {  	[smem:$0x3FB5] =	sst s8  }
0x11: {  	[smem:$0x3FB6] =	sst s9;
	s0 =	simm.s32 @!p0 $0x0  }
0x12: {  	s1 =	sld [smem:$0x3F9C];
	s0 =	simm.s32 @p0 $0x1  }
0x13: {  	[smem:$0x3FB7] =	sst s0;
	s0 =	simm.s32 @!p1 $0x0  }
0x14: {  	s2 =	sld [smem:$0x3F9B];
	s0 =	simm.s32 @p1 $0x1  }
0x15: {  	[smem:$0x3FB8] =	sst s0;
	s0 =	simm.s32 @!p2 $0x0  }
0x16: {  	s3 =	sld [smem:$0x3FDB];
	s0 =	simm.s32 @p2 $0x1  }
0x17: {  	s4 =	simm.s32 $0x1BF5;
	[smem:$0x3FBA] =	sst s0  }
0x18: {  	s0 =	sld [smem:$0x3F9D];
	_ =	swait.ge [sflag:s4], $0x0  }
0x19: {  	s7 =	sld [smem:$0x3F9E]  }
0x1a: {  	s8 =	sadd.s32 $0xFFFFE003, lr  }
0x1b: {  	s9 =	sadd.s32 $0xFFFFFEF7, lr;
	s5 =	simm.s32 $0xFFFFFFFF;
	p2 =	slt.u32 s8, $0xFFFFF086  }
0x1c: {  	p1 =	slt.u32 s9, $0xF7A;
	s5 =	simm.s32 @!p2 $0x0  }
0x1d: {  	s5 =	simm.s32 @p1 $0x1;
	p0 =	seq.s32 s7, s2  }
0x1e: {  	s7 =	smul.u32 @!p0 $0xF7A, s2;
	p2 =	seq.s32 @!p0 s5, $0x0  }
0x1f: {  	s9 =	smul.u32 $0xF7A, s1;
	s8 =	simm.s32 @!p0 $0x1BF5;
	p2 =	por !p2, p0  }
0x20: {  	[sflag:s8] =	ssyncset.s32 @!p0 $0xFFFFF086;
	s6 =	sadd.s32 @!p0 s3, s7;
	s7 =	simm.s32 @!p0 $0x108  }
0x21: {  	s3 =	sadd.s32 s3, s9;
	s6 =	sadd.s32 @!p0 $0x88, s6;
	s7 =	simm.s32 @p2 $0x1082  }
0x22: {  	[simem:s7], [sflag:s8] =	dma.local @!p0 [hbm:s6], $0xF7A  }
0x23: {  	s9 =	sor.u32 $0xD0000000, s2;
	s6 =	simm.s32 $0x108;
	_ =	swait.ge @!p0 [sflag:s8], $0x0  }
0x24: {  	s3 =	sadd.s32 $0x88, s3;
	s6 =	simm.s32 @!p1 $0x1082;
	[sflag:s4] =	ssyncset.s32 $0xFFFFF086  }
0x25: {  	[simem:s6], [sflag:s4] =	dma.local [hbm:s3], $0xF7A  }
0x26: {  	[smem:$0x3F9E] =	sst s1;
	(tag) =	ssettag s2;
	_ =	strace s9  }
0x27: {  	s1 =	sld [smem:$0x3FAE]  }
0x28: {  	s2 =	sld [smem:$0x3FAF]  }
0x29: {  	s4 =	sld [smem:$0x3FB1]  }
0x2a: {  	p0 =	seq.s32 s5, $0x0;
	s5 =	sld [smem:$0x3FB2]  }
0x2b: {  	s6 =	sld [smem:$0x3FB3]  }
0x2c: {  	s7 =	sld [smem:$0x3FB4]  }
0x2d: {  	s3 =	simm.s32 $0x108;
	s8 =	sld [smem:$0x3FB5]  }
0x2e: {  	s3 =	simm.s32 @!p0 $0x1082;
	s9 =	sld [smem:$0x3FB6]  }
0x2f: {  	lr =	sadd.s32 s0, s3;
	s0 =	sld [smem:$0x3FAD]  }
0x30: {  	s3 =	sld [smem:$0x3FB0]  }
0x31: {  	[smem:$0x3FB9] =	sst s10  }
0x32: {  	s10 =	sld [smem:$0x3FB7];
	_ =	sdelay $0x3  }
0x33: {  	p0 =	seq.s32 s10, $0x1;
	s10 =	sld [smem:$0x3FB9];
	_ =	sdelay $0x3  }
0x34: {  	[smem:$0x3FB9] =	sst s10  }
0x35: {  	s10 =	sld [smem:$0x3FB8];
	_ =	sdelay $0x3  }
0x36: {  	p1 =	seq.s32 s10, $0x1;
	s10 =	sld [smem:$0x3FB9];
	_ =	sdelay $0x3  }
0x37: {  	[smem:$0x3FB9] =	sst s10  }
0x38: {  	s10 =	sld [smem:$0x3FBA]  }
0x39: {  	_ = 	snop;
	(pc) =	sbr.ind lr, $3  }
0x3a: {  	_ = 	snop  }
0x3b: {  	_ = 	snop  }
0x3c: {  	p2 =	seq.s32 s10, $0x1;
	s10 =	sld [smem:$0x3FB9]  }
0x3d: {  	_ =	shalt  }
0x3e: {  	_ =	shalt  }
0x3f: {  	_ =	shalt  }
0x40: {  	_ =	shalt  }
0x41: {  	_ =	shalt  }
0x42: {  	_ =	shalt  }
0x43: {  	_ =	shalt  }
0x44: {  	_ =	shalt  }
0x45: {  	_ =	shalt  }
0x46: {  	_ =	shalt  }
0x47: {  	_ =	shalt  }
0x48: {  	_ =	shalt  }
0x49: {  	_ =	shalt  }
0x4a: {  	_ =	shalt  }
0x4b: {  	_ =	shalt  }
0x4c: {  	_ =	shalt  }
0x4d: {  	_ =	shalt  }
0x4e: {  	_ =	shalt  }
0x4f: {  	_ =	shalt  }
0x50: {  	_ =	shalt  }
0x51: {  	_ =	shalt  }
0x52: {  	_ =	shalt  }
0x53: {  	_ =	shalt  }
0x54: {  	_ =	shalt  }
0x55: {  	_ =	shalt  }
0x56: {  	_ =	shalt  }
0x57: {  	_ =	shalt  }
0x58: {  	_ =	shalt  }
0x59: {  	_ =	shalt  }
0x5a: {  	_ =	shalt  }
0x5b: {  	_ =	shalt  }
0x5c: {  	_ =	shalt  }
0x5d: {  	_ =	shalt  }
0x5e: {  	_ =	shalt  }
0x5f: {  	_ =	shalt  }
0x60: {  	_ =	shalt  }
0x61: {  	_ =	shalt  }
0x62: {  	_ =	shalt  }
0x63: {  	_ =	shalt  }
0x64: {  	_ =	shalt  }
0x65: {  	_ =	shalt  }
0x66: {  	_ =	shalt  }
0x67: {  	_ =	shalt  }
0x68: {  	_ =	shalt  }
0x69: {  	_ =	shalt  }
0x6a: {  	_ =	shalt  }
0x6b: {  	_ =	shalt  }
0x6c: {  	_ =	shalt  }
0x6d: {  	_ =	shalt  }
0x6e: {  	_ =	shalt  }
0x6f: {  	_ =	shalt  }
0x70: {  	_ =	shalt  }
0x71: {  	_ =	shalt  }
0x72: {  	_ =	shalt  }
0x73: {  	_ =	shalt  }
0x74: {  	_ =	shalt  }
0x75: {  	_ =	shalt  }
0x76: {  	_ =	shalt  }
0x77: {  	_ =	shalt  }
0x78: {  	_ =	shalt  }
0x79: {  	_ =	shalt  }
0x7a: {  	_ =	shalt  }
0x7b: {  	_ =	shalt  }
0x7c: {  	_ =	shalt  }
0x7d: {  	_ =	shalt  }
0x7e: {  	_ =	shalt  }
0x7f: {  	_ =	shalt  }
0x80: {  	_ =	shalt  }
0x81: {  	_ =	shalt  }
0x82: {  	_ =	shalt  }
0x83: {  	_ =	shalt  }
0x84: {  	_ =	shalt  }
0x85: {  	_ =	shalt  }
0x86: {  	_ =	shalt  }
0x87: {  	_ =	shalt  }
.Lfunc_end0:
.L_simem_size_0:
called_computation_lowered:
.L_overlay_start_0:
0x88: {  	s2 =	sld [smem:$0x3FD9]  }
0x89: {  	s3 =	sld [smem:$0x3FFE];
	_ =	sdelay $0x1  }
0x8a: {  	s1 =	srdreg.scid  }
0x8b: {  	s0 =	sand.u32 $0x1, s1  }
0x8c: {  	s17 =	sshll.u32 s0, $0xA;
	s2 =	sadd.s32 s3, s2  }
0x8d: {  	s2 =	sadd.s32 s2, s17  }
0x8e: {  	[smem:$0x3FC5] =	sst s2  }
0x8f: {  	_ = 	snop  }
0x90: {  	s2 =	sld [smem:$0x3FC9]  }
0x91: {  	s18 =	sld [smem:$0x3FC8]  }
0x92: {  	s4 =	sld [smem:$0x3FD0];
	(tm) =	ssettm $0x1  }
0x93: {  	s5 =	sld [smem:$0x3FFB];
	_ =	sdelay $0x3  }
0x94: {  	_ =	strace s5  }
0x95: {  	s5 =	sld [smem:$0x3FFC];
	_ =	sdelay $0x3  }
0x96: {  	_ =	strace s5  }
0x97: {  	s5 =	sld [smem:$0x3FFD];
	_ =	sdelay $0x3  }
0x98: {  	_ =	strace s5  }
0x99: {  	_ =	strace $0x8FFFFFFF  }
0x9a: {  	s19 =	sld [smem:$0x3FDB];
	_ =	sdelay $0x1  }
0x9b: {  	s6 =	simm.s32 $_scs_section_size  }
0x9c: {  	s7 =	simm.s32 $_size__tile_overlayer_lowered;
	s8 =	simm.s32 $_tile_overlayer_lowered  }
0x9d: {  	s22 =	simm.s32 $0x1BFF;
	s21 =	sshll.u32 s8, $0x1;
	s5 =	sadd.s32 s6, s19  }
0x9e: {  	s9 =	simm.s32 $0x0;
	s20 =	sshll.u32 s7, $0x1;
	s7 =	sadd.s32 s21, s5  }
0x9f: {  	[timem:s9], [sflag:s22] =	dma.local [hbm:s7], s20  }
0xa0: {  	_ =	swait.ge [sflag:s22], s20  }
0xa1: {  	s6 =	ssub.s32 $0x0, s20;
	[sflag:s22] =	ssyncset.done $0x0  }
0xa2: {  	[sflag:s22] =	ssyncadd.s32 s6;
	_ =	sdelay $0x1  }
0xa3: {  	s23 =	simm.s32 $0x1B8B  }
0xa4: {  	_ =	swait.ge [sflag:s23], $0x1  }
0xa5: {  	[sflag:s23] =	ssyncset.done $0x0  }
0xa6: {  	s25 =	simm.s32 $0x1B8E;
	s24 =	sld [smem:$0x3FFE];
	[sflag:s23] =	ssyncadd.s32 $0xFFFFFFFF  }
0xa7: {  	s26 =	simm.s32 $execute0_lowered;
	[smem:$0x3FD2] =	sst s25  }
0xa8: {  	s7 =	sshll.u32 s26, $0x1;
	_ =	strace $0x80000046;
	[dreg:$0x1] =	wrdreg $0xFFFFFFFF  }
0xa9: {  	s28 =	simm.s32 $_size_execute0_lowered;
	s5 =	sadd.s32 s5, s7;
	[dreg:$0x0] =	wrdreg $0x0  }
0xaa: {  	s7 =	sshll.u32 s28, $0x1;
	[dreg:$0x2] =	wrdreg s5  }
0xab: {  	[dreg:$0x3] =	wrdreg s7  }
0xac: {  	[dreg:$0x4] =	wrdreg $0xC0  }
0xad: {  	_ =	task [dreg:s9], $0x5FFFF  }
0xae: {  	[dreg:$0x1] =	wrdreg $0xFFFFFFFF  }
0xaf: {  	[dreg:$0x0] =	wrdreg $0x60  }
0xb0: {  	[dreg:$0x2] =	wrdreg s2  }
0xb1: {  	[dreg:$0x3] =	wrdreg s18  }
0xb2: {  	[dreg:$0x4] =	wrdreg s24  }
0xb3: {  	[dreg:$0x5] =	wrdreg s4  }
0xb4: {  	[dreg:$0x6] =	wrdreg $0x9  }
0xb5: {  	_ =	task.clear_ibuf [dreg:s9], $0x7FFFF;
	_ =	strace $0x90000046  }
0xb6: {  	s29 =	simm.s32 $0x9;
	_ =	strace $0x80000048  }
0xb7: {  	_ =	swait.ge [sflag:s29], $0x1  }
0xb8: {  	[sflag:s29] =	ssyncadd.s32 $0xFFFFFFFF  }
0xb9: {  	_ =	strace $0x90000048  }
0xba: {  	_ =	sfence  }
0xbb: {  	s30 =	sld [smem:$0x0];
	_ =	sdelay $0x2  }
0xbc: {  	s31 =	sshll.u32 s1, $0xD;
	s1 =	sshrl.u32 s1, $0x2  }
0xbd: {  	s3 =	sand.u32 $0x4000, s31;
	s1 =	sadd.s32 s1, s30  }
0xbe: {  	s0 =	sor.u32 s3, s0;
	s1 =	sshll.u32 s1, $0x11  }
0xbf: {  	s0 =	sor.u32 s1, s0  }
0xc0: {  	s0 =	sadd.s32 $0x8F2B, s0  }
0xc1: {  	[sflag:s0] =	ssyncadd.remote.s32 $0x1  }
0xc2: {  	_ =	sfence.sel $0xFFFF  }
0xc3: {  	[dreg:$0x0] =	wrdreg $0xFFFFFFFF;
	(pc) =	sbr.abs _section_cstart, $3  }
0xc4: {  	[dreg:$0x1] =	wrdreg $0xFFFFFFFF  }
0xc5: {  	_ =	task.clear_ibuf [dreg:s9], $0x2FFFF;
	_ =	strace $0x9FFFFFFF  }
0xc6: {  	(tm) =	ssettm $0x7FFFFFFF  }
0xc7: {  	_ =	shalt  }
tec
execute0_lowered:
.L_overlay_start_1:
0x0: {  	(tag) =	ssettag $0x1  }
0x1: {  	s1 =	rddreg [dreg:$0x0]  }
0x2: {  	s2 =	rddreg [dreg:$0x1]  }
0x3: {  	s0 =	rddreg [dreg:$0x2]  }
0x4: {  	s3 =	srdreg.scid;
	s4 =	stileid.u32  }
0x5: {  	s6 =	rddreg [dreg:$0x3];
	s15 =	simm.s32 $0x1;
	s16 =	simm.s32 $0x50  }
0x6: {  	s14 =	simm.s32 $0x5F0;
	s12 =	simm.s32 $0x19C80;
	s13 =	simm.s32 $0x4  }
0x7: {  	s17 =	simm.s32 $0x6;
	s18 =	simm.s32 $0x1A080;
	s19 =	simm.s32 $0x0  }
0x8: {  	s3 =	sand.u32 $0x1, s3;
	s5 =	sshll.u32 s4, $0x1;
	s4 =	simm.s32 $0x0  }
0x9: {  	s7 =	sor.u32 s3, s5;
	[smem:$0x7FF] =	sst s4;
	s3 =	ssub.s32 $0x2, s3  }
0xa: {  	s5 =	sadd.s32 $0x187000, s0;
	s8 =	smul.u32 $0x6400, s7;
	s9 =	sshrl.u32 s3, $0x1  }
0xb: {  	_ =	strace $0x80000047;
	s7 =	sshll.u32 s7, $0xC;
	s24 =	ssub.s32 s3, s9  }
0xc: {  	s11 =	sadd.s32 s6, s7;
	s7 =	simm.s32 $0x320;
	s31 =	sadd.s32 $0x960, s8  }
0xd: {  	s25 =	sshrl.u32 s8, $0x3;
	s0 =	smax.u32 s24, $0x1;
	[dreg:$0x9] =	wrdreg s31  }
0xe: {  	s9 =	simm.s32 $0x2;
	s26 =	sadd.s32 s1, s25;
	[dreg:$0xa] =	wrdreg s0  }
0xf: {  	s28 =	sor.u32 $0x64, s25;
	s3 =	sadd.s32 s2, s25;
	[dreg:$0x5] =	wrdreg s26  }
0x10: {  	s6 =	simm.s32 $0x18880;
	[dreg:$0x6] =	wrdreg s3;
	s29 =	sadd.s32 s1, s28  }
0x11: {  	s10 =	sadd.s32 $0x640, s8;
	s30 =	sadd.s32 s2, s28;
	[dreg:$0x7] =	wrdreg s29  }
0x12: {  	s8 =	simm.s32 $0x3;
	s0 =	simm.s32 $0x17480;
	[dreg:$0x8] =	wrdreg s30  }
.LBB2_1:
0x13: {  	[dreg:$0xb] =	wrdreg s19  }
0x14: {  	s3 =	rddreg [dreg:$0x5]  }
0x15: {  	[tilespmem:s4], [sflag:$0x1] =	stream.linear.gather [hbm4b:s3+s4], $0x320, $0x38;
	[tilespmem:$0x1A480] =	vst v63  }
0x16: {  	s19 =	rddreg [dreg:$0x6];
	s20 =	simm.s32 $0x640  }
0x17: {  	[tilespmem:s20], [sflag:$0x1] =	stream.linear.gather [hbm4b:s19+s4], $0x320, $0x38;
	[tilespmem:$0x1A480] =	vst v63  }
0x18: {  	_ =	swait.ge [sflag:s15], $0x320  }
0x19: {  	[sflag:s15] =	ssyncset.done $0x0  }
0x1a: {  	[sflag:s15] =	ssyncadd.s32 $0xFFFFFCE0  }
0x1b: {  	_ =	swait.ge [sflag:s15], $0x320  }
0x1c: {  	[sflag:s15] =	ssyncset.done $0x0  }
0x1d: {  	s21 =	simm.s32 $0xC80;
	[sflag:s15] =	ssyncadd.s32 $0xFFFFFCE0  }
0x1e: {  	[tilespmem:s21], [sflag:$0x3] =	stream.indirect.gather [hbm4b:s5+s16], $0x40, s4, s16, $0xb8;
	[tilespmem:$0x1A480] =	vst v63  }
0x1f: {  	s22 =	simm.s32 $0x2080  }
0x20: {  	[tilespmem:s22], [sflag:$0x3] =	stream.indirect.gather [hbm4b:s5+s16], $0x40, s16, s16, $0xb8;
	[tilespmem:$0x1A480] =	vst v63  }
0x21: {  	s23 =	simm.s32 $0xA0;
	s24 =	simm.s32 $0x3480  }
0x22: {  	[tilespmem:s24], [sflag:$0x3] =	stream.indirect.gather [hbm4b:s5+s16], $0x40, s23, s16, $0xb8;
	[tilespmem:$0x1A480] =	vst v63  }
0x23: {  	s25 =	simm.s32 $0xF0;
	s26 =	simm.s32 $0x4880  }
0x24: {  	[tilespmem:s26], [sflag:$0x3] =	stream.indirect.gather [hbm4b:s5+s16], $0x40, s25, s16, $0xb8;
	[tilespmem:$0x1A480] =	vst v63  }
0x25: {  	s28 =	simm.s32 $0x140;
	s29 =	simm.s32 $0x5C80  }
0x26: {  	[tilespmem:s29], [sflag:$0x3] =	stream.indirect.gather [hbm4b:s5+s16], $0x40, s28, s16, $0xb8;
	[tilespmem:$0x1A480] =	vst v63  }
0x27: {  	s30 =	simm.s32 $0x190;
	s31 =	simm.s32 $0x7080  }
0x28: {  	[tilespmem:s31], [sflag:$0x3] =	stream.indirect.gather [hbm4b:s5+s16], $0x40, s30, s16, $0xb8;
	[tilespmem:$0x1A480] =	vst v63  }
0x29: {  	s20 =	simm.s32 $0x1E0;
	s21 =	simm.s32 $0x8480  }
0x2a: {  	[tilespmem:s21], [sflag:$0x3] =	stream.indirect.gather [hbm4b:s5+s16], $0x40, s20, s16, $0xb8;
	[tilespmem:$0x1A480] =	vst v63  }
0x2b: {  	s22 =	simm.s32 $0x230;
	s23 =	simm.s32 $0x9880  }
0x2c: {  	[tilespmem:s23], [sflag:$0x3] =	stream.indirect.gather [hbm4b:s5+s16], $0x40, s22, s16, $0xb8;
	[tilespmem:$0x1A480] =	vst v63  }
0x2d: {  	s24 =	simm.s32 $0x280;
	s25 =	simm.s32 $0xAC80  }
0x2e: {  	[tilespmem:s25], [sflag:$0x3] =	stream.indirect.gather [hbm4b:s5+s16], $0x40, s24, s16, $0xb8;
	[tilespmem:$0x1A480] =	vst v63  }
0x2f: {  	s26 =	simm.s32 $0x2D0;
	s28 =	simm.s32 $0xC080  }
0x30: {  	[tilespmem:s28], [sflag:$0x3] =	stream.indirect.gather [hbm4b:s5+s16], $0x40, s26, s16, $0xb8;
	[tilespmem:$0x1A480] =	vst v63  }
0x31: {  	s29 =	rddreg [dreg:$0x7]  }
0x32: {  	[tilespmem:s7], [sflag:$0x2] =	stream.linear.gather [hbm4b:s29+s4], $0x320, $0x38;
	[tilespmem:$0x1A480] =	vst v63  }
0x33: {  	s19 =	simm.s32 $0x0;
	s30 =	rddreg [dreg:$0x8];
	s31 =	simm.s32 $0x960  }
0x34: {  	[tilespmem:s31], [sflag:$0x2] =	stream.linear.gather [hbm4b:s30+s4], $0x320, $0x38;
	[tilespmem:$0x1A480] =	vst v63  }
.LBB2_2:
0x35: {  	_ =	swait.ge [sflag:s9], $0x320  }
0x36: {  	[sflag:s9] =	ssyncset.done $0x0  }
0x37: {  	[sflag:s9] =	ssyncadd.s32 $0xFFFFFCE0  }
0x38: {  	_ =	swait.ge [sflag:s9], $0x320  }
0x39: {  	[sflag:s9] =	ssyncset.done $0x0  }
0x3a: {  	s3 =	simm.s32 $0xD480;
	[sflag:s9] =	ssyncadd.s32 $0xFFFFFCE0  }
0x3b: {  	[tilespmem:s3], [sflag:$0x4] =	stream.indirect.gather [hbm4b:s5+s16], $0x40, s7, s16, $0xb8;
	[tilespmem:$0x1A480] =	vst v63  }
0x3c: {  	s29 =	simm.s32 $0x370;
	s20 =	simm.s32 $0xE880  }
0x3d: {  	[tilespmem:s20], [sflag:$0x4] =	stream.indirect.gather [hbm4b:s5+s16], $0x40, s29, s16, $0xb8;
	[tilespmem:$0x1A480] =	vst v63  }
0x3e: {  	s30 =	simm.s32 $0x3C0;
	s31 =	simm.s32 $0xFC80  }
0x3f: {  	[tilespmem:s31], [sflag:$0x4] =	stream.indirect.gather [hbm4b:s5+s16], $0x40, s30, s16, $0xb8;
	[tilespmem:$0x1A480] =	vst v63  }
0x40: {  	s21 =	simm.s32 $0x11080;
	s20 =	simm.s32 $0x410  }
0x41: {  	[tilespmem:s21], [sflag:$0x4] =	stream.indirect.gather [hbm4b:s5+s16], $0x40, s20, s16, $0xb8;
	[tilespmem:$0x1A480] =	vst v63  }
0x42: {  	s22 =	simm.s32 $0x460;
	s23 =	simm.s32 $0x12480  }
0x43: {  	[tilespmem:s23], [sflag:$0x4] =	stream.indirect.gather [hbm4b:s5+s16], $0x40, s22, s16, $0xb8;
	[tilespmem:$0x1A480] =	vst v63  }
0x44: {  	s24 =	simm.s32 $0x4B0;
	s25 =	simm.s32 $0x13880  }
0x45: {  	[tilespmem:s25], [sflag:$0x4] =	stream.indirect.gather [hbm4b:s5+s16], $0x40, s24, s16, $0xb8;
	[tilespmem:$0x1A480] =	vst v63  }
0x46: {  	s26 =	simm.s32 $0x500;
	s28 =	simm.s32 $0x14C80;
	p0 =	seq.s32 s19, $0xF  }
0x47: {  	[tilespmem:s28], [sflag:$0x4] =	stream.indirect.gather [hbm4b:s5+s16], $0x40, s26, s16, $0xb8;
	[tilespmem:$0x1A480] =	vst v63  }
0x48: {  	s29 =	simm.s32 $0x550;
	s30 =	simm.s32 $0x16080;
	s20 =	smul.u32 @!p0 $0x640, s19  }
0x49: {  	[tilespmem:s30], [sflag:$0x4] =	stream.indirect.gather [hbm4b:s5+s16], $0x40, s29, s16, $0xb8;
	[tilespmem:$0x1A480] =	vst v63  }
0x4a: {  	s31 =	simm.s32 $0x5A0;
	s20 =	sadd.s32 @!p0 s20, s10  }
0x4b: {  	[tilespmem:s0], [sflag:$0x4] =	stream.indirect.gather [hbm4b:s5+s16], $0x40, s31, s16, $0xb8;
	[tilespmem:$0x1A480] =	vst v63  }
0x4c: {  	s20 =	sshrl.u32 @!p0 s20, $0x3  }
0x4d: {  	[tilespmem:s6], [sflag:$0x4] =	stream.indirect.gather [hbm4b:s5+s16], $0x40, s14, s16, $0xb8;
	[tilespmem:$0x1A480] =	vst v63  }
0x4e: {  	s22 =	simm.s32 @!p0 $0x0;
	s21 =	sadd.s32 @!p0 s1, s20  }
0x4f: {  	[tilespmem:s22], [sflag:$0x1] =	stream.linear.gather @!p0 [hbm4b:s21+s22], $0x320, $0x38;
	[tilespmem:$0x1A480] =	vst v63  }
0x50: {  	s20 =	sadd.s32 @!p0 s2, s20;
	s21 =	simm.s32 @!p0 $0x640  }
0x51: {  	[tilespmem:s21], [sflag:$0x1] =	stream.linear.gather @!p0 [hbm4b:s20+s22], $0x320, $0x38;
	[tilespmem:$0x1A480] =	vst v63  }
0x52: {  	_ =	swait.ge [sflag:s8], $0xC800  }
0x53: {  	p0 =	seq.s32 s19, $0x0;
	[sflag:s8] =	ssyncset.done $0x0  }
0x54: {  	s22 =	simm.s32 @!p0 $0x5;
	[sflag:s8] =	ssyncadd.s32 $0xFFFF3800  }
0x55: {  	s23 =	simm.s32 $0x0;
	s24 =	simm.s32 $0xCC0;
	_ =	swait.ge @!p0 [sflag:s22], $0x400  }
0x56: {  	s25 =	simm.s32 $0x0;
	s21 =	sshll.u32 s19, $0x8;
	[sflag:s22] =	ssyncset.done @!p0 $0x0  }
0x57: {  	s20 =	sor.u32 $0x80, s21;
	[sflag:s22] =	ssyncadd.s32 @!p0 $0xFFFFFC00;
	s22 =	simm.s32 $0x1  }
.LBB2_3:
0x58: {  	s26 =	sadd.s32 $0x0, s23;
	v0 =	vld [tilespmem:s24+$0x0]  }
0x59: {  	v1 =	vld [tilespmem:s24+$0x10];
	s28 =	sand.u32 $0x7F0, s26  }
0x5a: {  	v3 =	vld [tilespmem:s28+$0x640]  }
0x5b: {  	v6 =	vld [tilespmem:s24+$0xFFFFFFC0];
	s28 =	sand.u32 $0xFFFFFFF0, s23  }
0x5c: {  	v8 =	vld [tilespmem:s24+$0xFFFFFFD0];
	s28 =	ssub.s32 s22, s28  }
0x5d: {  	v9 =	vld [tilespmem:s24+$0xFFFFFFE0];
	s28 =	sadd.s32 $0x0, s28  }
0x5e: {  	v10 =	vld [tilespmem:s24+$0xFFFFFFF0];
	s26 =	sand.u32 $0xE, s26;
	v2 =	vmov s28  }
0x5f: {  	v4 =	vmov s26;
	v2 =	vperm.xlane v3, v2  }
0x60: {  	v7 =	vld [tilespmem:s24+$0x20];
	v11 =	vperm.xlane v3, v4  }
0x61: {  	s26 =	sadd.s32 $0x80, s24;
	v3 =	vld [tilespmem:s24+$0x30];
	v5 =	vmul.f32 v0, v2;
	v4 =	vmul.f32 v1, v2  }
0x62: {  	s29 =	sadd.s32 $0x2, s23;
	v0 =	vld [tilespmem:s26+$0x0];
	v15 =	vmul.f32 v6, v11;
	v13 =	vmul.f32 v8, v11  }
0x63: {  	s30 =	sand.u32 $0x7F0, s29;
	v8 =	vimm.f32 $0.0e+00;
	v1 =	vld [tilespmem:s26+$0x10];
	v14 =	vmul.f32 v9, v11;
	v12 =	vmul.f32 v10, v11  }
0x64: {  	s31 =	simm.s32 $0x4;
	s28 =	simm.s32 $0x2;
	v6 =	vld [tilespmem:s30+$0x640];
	s30 =	sadd.s32 $0x2, s23;
	v10 =	vimm.f32 $0.0e+00;
	v11 =	vimm.f32 $0.0e+00;
	v9 =	vimm.f32 $0.0e+00  }
.LBB2_4:
0x65: {  	p1 =	sne.s32 s31, $0x30;
	s3 =	sand.u32 $0xFFFFFFF0, s30;
	v16 =	vld [tilespmem:s26+$0xFFFFFFC0];
	v8 =	vadd.f32 v15, v8;
	v10 =	vadd.f32 v13, v10;
	v7 =	vmul.f32 v7, v2  }
0x66: {  	s3 =	ssub.s32 s22, s3;
	v13 =	vld [tilespmem:s26+$0xFFFFFFD0];
	v11 =	vadd.f32 v14, v11;
	v9 =	vadd.f32 v12, v9;
	v2 =	vmul.f32 v3, v2  }
0x67: {  	v12 =	vld [tilespmem:s26+$0xFFFFFFE0];
	s3 =	sadd.s32 s3, s28;
	v8 =	vadd.f32 v5, v8;
	v10 =	vadd.f32 v4, v10;
	s28 =	smov.u32 s31  }
0x68: {  	s29 =	sand.u32 $0xE, s29;
	v17 =	vld [tilespmem:s26+$0xFFFFFFF0];
	v3 =	vmov s3;
	v11 =	vadd.f32 v7, v11;
	v9 =	vadd.f32 v2, v9  }
.Ltmp0:
0x69: {  	v4 =	vmov s29;
	v2 =	vperm.xlane v6, v3;
	v7 =	vld [tilespmem:s26+$0x20];
	(pc) =	sbr.rel @p1 .LBB2_4-.Ltmp0, $4  }
0x6a: {  	v18 =	vperm.xlane v6, v4;
	v3 =	vld [tilespmem:s26+$0x30];
	s26 =	sadd.s32 $0x80, s26  }
0x6b: {  	s29 =	sadd.s32 s31, s23;
	v5 =	vmul.f32 v0, v2;
	v0 =	vld [tilespmem:s26+$0x0];
	v4 =	vmul.f32 v1, v2  }
0x6c: {  	s3 =	sand.u32 $0x7F0, s29;
	v15 =	vmul.f32 v16, v18;
	v13 =	vmul.f32 v13, v18;
	v1 =	vld [tilespmem:s26+$0x10]  }
0x6d: {  	s30 =	sadd.s32 $0x2, s30;
	s31 =	sadd.s32 $0x2, s31;
	v14 =	vmul.f32 v12, v18;
	v6 =	vld [tilespmem:s3+$0x640];
	v12 =	vmul.f32 v17, v18  }
0x6e: {  	_ = 	snop  }
0x6f: {  	v16 =	vld [tilespmem:s26+$0xFFFFFFC0]  }
0x70: {  	s3 =	sand.u32 $0xFFFFFFF0, s30;
	v8 =	vadd.f32 v15, v8;
	v48 =	vld [tilespmem:s26+$0xFFFFFFD0];
	s29 =	sand.u32 $0xE, s29  }
0x71: {  	v10 =	vadd.f32 v13, v10;
	v49 =	vld [tilespmem:s26+$0xFFFFFFE0];
	v7 =	vmul.f32 v7, v2;
	s3 =	ssub.s32 s22, s3;
	v50 =	vmov s29  }
0x72: {  	v51 =	vld [tilespmem:s26+$0xFFFFFFF0];
	v11 =	vadd.f32 v14, v11;
	v9 =	vadd.f32 v12, v9;
	s3 =	sadd.s32 s3, s28;
	v14 =	vperm.xlane v6, v50  }
0x73: {  	v55 =	vld [tilespmem:s26+$0x20];
	v52 =	vmul.f32 v3, v2;
	v53 =	vadd.f32 v5, v8;
	v54 =	vmov s3  }
0x74: {  	v56 =	vld [tilespmem:s26+$0x30];
	v4 =	vadd.f32 v4, v10;
	v5 =	vperm.xlane v6, v54;
	v57 =	vmul.f32 v16, v14  }
0x75: {  	v7 =	vadd.f32 v7, v11;
	v2 =	vadd.f32 v52, v9;
	v58 =	vmul.f32 v48, v14  }
0x76: {  	v0 =	vmul.f32 v0, v5;
	v59 =	vmul.f32 v49, v14;
	v3 =	vadd.f32 v57, v53  }
0x77: {  	s31 =	sshll.u32 s25, $0x6;
	s25 =	sadd.s32 $0x1, s25;
	v1 =	vmul.f32 v1, v5;
	v60 =	vmul.f32 v51, v14;
	v4 =	vadd.f32 v58, v4  }
0x78: {  	p1 =	sne.s32 s25, $0x10;
	v8 =	vmul.f32 v55, v5;
	v7 =	vadd.f32 v59, v7;
	v0 =	vadd.f32 v0, v3  }
.Ltmp1:
0x79: {  	s3 =	sand.u32 $0x3FFFFFC0, s31;
	v61 =	vmul.f32 v56, v5;
	v2 =	vadd.f32 v60, v2;
	v1 =	vadd.f32 v1, v4;
	(pc) =	sbr.rel @p1 .LBB2_3-.Ltmp1, $4  }
0x7a: {  	v62 =	vadd.f32 v8, v7;
	[tilespmem:s3+$0x19C80] =	vst v0  }
0x7b: {  	v63 =	vadd.f32 v61, v2;
	[tilespmem:s3+$0x19C90] =	vst v1  }
0x7c: {  	[tilespmem:s3+$0x19CA0] =	vst v62  }
0x7d: {  	s23 =	sadd.s32 $0x32, s23;
	s24 =	sadd.s32 $0xC80, s24;
	s22 =	sadd.s32 $0x32, s22;
	[tilespmem:s3+$0x19CB0] =	vst v63  }
0x7e: {  	p1 =	sne.s32 s19, $0xF  }
.Ltmp2:
0x7f: {  	_ = 	snop;
	(pc) =	sbr.rel @p1 .LBB2_8-.Ltmp2, $3  }
0x80: {  	_ =	sdelay $0x1  }
0x81: {  	s3 =	sadd.s32 s21, s11  }
0x82: {  	[hbm4b:s3+s4] =	stream.linear.scatter [tilespmem:s12], [sflag:$0x5], $0x400, $0x38;
	[tilespmem:$0x1A480] =	vst v63  }
.Ltmp3:
0x83: {  	(pc) =	sbr.rel .LBB2_9-.Ltmp3, $4  }
0x84: {  	_ = 	snop  }
0x85: {  	_ =	swait.ge [sflag:s13], $0xC800  }
0x86: {  	[sflag:s13] =	ssyncset.done $0x0  }
0x87: {  	[sflag:s13] =	ssyncadd.s32 $0xFFFF3800  }
.LBB2_8:
0x88: {  	_ =	swait.ge [sflag:s15], $0x320  }
0x89: {  	[sflag:s15] =	ssyncset.done $0x0  }
0x8a: {  	[sflag:s15] =	ssyncadd.s32 $0xFFFFFCE0  }
0x8b: {  	_ =	swait.ge [sflag:s15], $0x320  }
0x8c: {  	[sflag:s15] =	ssyncset.done $0x0  }
0x8d: {  	s3 =	simm.s32 $0xC80;
	[sflag:s15] =	ssyncadd.s32 $0xFFFFFCE0  }
0x8e: {  	[tilespmem:s3], [sflag:$0x3] =	stream.indirect.gather [hbm4b:s5+s16], $0x40, s4, s16, $0xb8;
	[tilespmem:$0x1A480] =	vst v63  }
0x8f: {  	s21 =	simm.s32 $0x2080  }
0x90: {  	[tilespmem:s21], [sflag:$0x3] =	stream.indirect.gather [hbm4b:s5+s16], $0x40, s16, s16, $0xb8;
	[tilespmem:$0x1A480] =	vst v63  }
0x91: {  	s22 =	simm.s32 $0xA0;
	s21 =	simm.s32 $0x3480  }
0x92: {  	[tilespmem:s21], [sflag:$0x3] =	stream.indirect.gather [hbm4b:s5+s16], $0x40, s22, s16, $0xb8;
	[tilespmem:$0x1A480] =	vst v63  }
0x93: {  	s23 =	simm.s32 $0xF0;
	s24 =	simm.s32 $0x4880  }
0x94: {  	[tilespmem:s24], [sflag:$0x3] =	stream.indirect.gather [hbm4b:s5+s16], $0x40, s23, s16, $0xb8;
	[tilespmem:$0x1A480] =	vst v63  }
0x95: {  	s25 =	simm.s32 $0x140;
	s26 =	simm.s32 $0x5C80  }
0x96: {  	[tilespmem:s26], [sflag:$0x3] =	stream.indirect.gather [hbm4b:s5+s16], $0x40, s25, s16, $0xb8;
	[tilespmem:$0x1A480] =	vst v63  }
0x97: {  	s28 =	simm.s32 $0x190;
	s29 =	simm.s32 $0x7080  }
0x98: {  	[tilespmem:s29], [sflag:$0x3] =	stream.indirect.gather [hbm4b:s5+s16], $0x40, s28, s16, $0xb8;
	[tilespmem:$0x1A480] =	vst v63  }
0x99: {  	s30 =	simm.s32 $0x1E0;
	s31 =	simm.s32 $0x8480;
	s22 =	simm.s32 $0x230  }
0x9a: {  	[tilespmem:s31], [sflag:$0x3] =	stream.indirect.gather [hbm4b:s5+s16], $0x40, s30, s16, $0xb8;
	[tilespmem:$0x1A480] =	vst v63  }
0x9b: {  	s23 =	simm.s32 $0x9880;
	s26 =	smul.u32 $0x640, s19;
	s29 =	rddreg [dreg:$0x9]  }
0x9c: {  	[tilespmem:s23], [sflag:$0x3] =	stream.indirect.gather [hbm4b:s5+s16], $0x40, s22, s16, $0xb8;
	[tilespmem:$0x1A480] =	vst v63  }
0x9d: {  	s24 =	simm.s32 $0x280;
	s25 =	simm.s32 $0xAC80;
	s3 =	sadd.s32 s26, s29  }
0x9e: {  	[tilespmem:s25], [sflag:$0x3] =	stream.indirect.gather [hbm4b:s5+s16], $0x40, s24, s16, $0xb8;
	[tilespmem:$0x1A480] =	vst v63  }
0x9f: {  	s28 =	simm.s32 $0x2D0;
	s3 =	sshrl.u32 s3, $0x3;
	s22 =	simm.s32 $0xC080  }
0xa0: {  	[tilespmem:s22], [sflag:$0x3] =	stream.indirect.gather [hbm4b:s5+s16], $0x40, s28, s16, $0xb8;
	[tilespmem:$0x1A480] =	vst v63  }
0xa1: {  	s30 =	sadd.s32 s1, s3  }
0xa2: {  	[tilespmem:s7], [sflag:$0x2] =	stream.linear.gather [hbm4b:s30+s4], $0x320, $0x38;
	[tilespmem:$0x1A480] =	vst v63  }
.Ltmp4:
0xa3: {  	s31 =	simm.s32 $0x960;
	s3 =	sadd.s32 s2, s3;
	(pc) =	sbr.rel @p0 .LBB2_10-.Ltmp4, $4  }
0xa4: {  	[tilespmem:s31], [sflag:$0x2] =	stream.linear.gather [hbm4b:s3+s4], $0x320, $0x38;
	[tilespmem:$0x1A480] =	vst v63  }
0xa5: {  	_ =	swait.ge [sflag:s13], $0xC800  }
0xa6: {  	[sflag:s13] =	ssyncset.done $0x0  }
0xa7: {  	[sflag:s13] =	ssyncadd.s32 $0xFFFF3800  }
.LBB2_9:
0xa8: {  	_ =	swait.ge [sflag:s17], $0x400  }
0xa9: {  	[sflag:s17] =	ssyncset.done $0x0  }
0xaa: {  	[sflag:s17] =	ssyncadd.s32 $0xFFFFFC00  }
.LBB2_10:
0xab: {  	s21 =	simm.s32 $0x1  }
0xac: {  	s22 =	simm.s32 $0x0;
	s23 =	simm.s32 $0xD4C0;
	s24 =	simm.s32 $0x0  }
.LBB2_11:
0xad: {  	s3 =	sadd.s32 $0x0, s22;
	v0 =	vld [tilespmem:s23+$0x0]  }
0xae: {  	v1 =	vld [tilespmem:s23+$0x10];
	s25 =	sand.u32 $0x7F0, s3  }
0xaf: {  	v3 =	vld [tilespmem:s25+$0x960]  }
0xb0: {  	s26 =	sand.u32 $0xFFFFFFF0, s22;
	v6 =	vld [tilespmem:s23+$0xFFFFFFC0]  }
0xb1: {  	v8 =	vld [tilespmem:s23+$0xFFFFFFD0];
	s25 =	ssub.s32 s21, s26  }
0xb2: {  	v9 =	vld [tilespmem:s23+$0xFFFFFFE0];
	s25 =	sadd.s32 $0x0, s25  }
0xb3: {  	v10 =	vld [tilespmem:s23+$0xFFFFFFF0];
	s3 =	sand.u32 $0xE, s3;
	v2 =	vmov s25  }
0xb4: {  	v4 =	vmov s3;
	v2 =	vperm.xlane v3, v2  }
0xb5: {  	v7 =	vld [tilespmem:s23+$0x20];
	v11 =	vperm.xlane v3, v4  }
0xb6: {  	s25 =	sadd.s32 $0x80, s23;
	v3 =	vld [tilespmem:s23+$0x30];
	v5 =	vmul.f32 v0, v2;
	v4 =	vmul.f32 v1, v2  }
0xb7: {  	s28 =	sadd.s32 $0x2, s22;
	v0 =	vld [tilespmem:s25+$0x0];
	v15 =	vmul.f32 v6, v11;
	v13 =	vmul.f32 v8, v11  }
0xb8: {  	s31 =	sand.u32 $0x7F0, s28;
	v8 =	vimm.f32 $0.0e+00;
	v1 =	vld [tilespmem:s25+$0x10];
	v14 =	vmul.f32 v9, v11;
	v12 =	vmul.f32 v10, v11  }
0xb9: {  	s30 =	simm.s32 $0x4;
	s29 =	sadd.s32 $0x2, s22;
	s26 =	simm.s32 $0x2;
	v6 =	vld [tilespmem:s31+$0x960];
	v10 =	vimm.f32 $0.0e+00;
	v11 =	vimm.f32 $0.0e+00;
	v9 =	vimm.f32 $0.0e+00  }
.LBB2_12:
0xba: {  	p0 =	sne.s32 s30, $0x30;
	s3 =	sand.u32 $0xFFFFFFF0, s29;
	v16 =	vld [tilespmem:s25+$0xFFFFFFC0];
	v8 =	vadd.f32 v15, v8;
	v10 =	vadd.f32 v13, v10;
	v7 =	vmul.f32 v7, v2  }
0xbb: {  	s3 =	ssub.s32 s21, s3;
	v13 =	vld [tilespmem:s25+$0xFFFFFFD0];
	v11 =	vadd.f32 v14, v11;
	v9 =	vadd.f32 v12, v9;
	v2 =	vmul.f32 v3, v2  }
0xbc: {  	v12 =	vld [tilespmem:s25+$0xFFFFFFE0];
	s3 =	sadd.s32 s3, s26;
	v8 =	vadd.f32 v5, v8;
	v10 =	vadd.f32 v4, v10;
	s26 =	smov.u32 s30  }
0xbd: {  	s28 =	sand.u32 $0xE, s28;
	v17 =	vld [tilespmem:s25+$0xFFFFFFF0];
	v3 =	vmov s3;
	v11 =	vadd.f32 v7, v11;
	v9 =	vadd.f32 v2, v9  }
.Ltmp5:
0xbe: {  	v4 =	vmov s28;
	v2 =	vperm.xlane v6, v3;
	v7 =	vld [tilespmem:s25+$0x20];
	(pc) =	sbr.rel @p0 .LBB2_12-.Ltmp5, $4  }
0xbf: {  	v18 =	vperm.xlane v6, v4;
	v3 =	vld [tilespmem:s25+$0x30];
	s25 =	sadd.s32 $0x80, s25  }
0xc0: {  	s28 =	sadd.s32 s30, s22;
	v5 =	vmul.f32 v0, v2;
	v0 =	vld [tilespmem:s25+$0x0];
	v4 =	vmul.f32 v1, v2  }
0xc1: {  	s3 =	sand.u32 $0x7F0, s28;
	v15 =	vmul.f32 v16, v18;
	v13 =	vmul.f32 v13, v18;
	v1 =	vld [tilespmem:s25+$0x10]  }
0xc2: {  	s29 =	sadd.s32 $0x2, s29;
	s30 =	sadd.s32 $0x2, s30;
	v14 =	vmul.f32 v12, v18;
	v6 =	vld [tilespmem:s3+$0x960];
	v12 =	vmul.f32 v17, v18  }
0xc3: {  	_ = 	snop  }
0xc4: {  	v16 =	vld [tilespmem:s25+$0xFFFFFFC0]  }
0xc5: {  	s3 =	sand.u32 $0xFFFFFFF0, s29;
	v8 =	vadd.f32 v15, v8;
	v48 =	vld [tilespmem:s25+$0xFFFFFFD0];
	s28 =	sand.u32 $0xE, s28  }
0xc6: {  	v10 =	vadd.f32 v13, v10;
	v49 =	vld [tilespmem:s25+$0xFFFFFFE0];
	v7 =	vmul.f32 v7, v2;
	s3 =	ssub.s32 s21, s3;
	v50 =	vmov s28  }
0xc7: {  	v51 =	vld [tilespmem:s25+$0xFFFFFFF0];
	v11 =	vadd.f32 v14, v11;
	v9 =	vadd.f32 v12, v9;
	s3 =	sadd.s32 s3, s26;
	v14 =	vperm.xlane v6, v50  }
0xc8: {  	v55 =	vld [tilespmem:s25+$0x20];
	v52 =	vmul.f32 v3, v2;
	v53 =	vadd.f32 v5, v8;
	v54 =	vmov s3  }
0xc9: {  	v56 =	vld [tilespmem:s25+$0x30];
	v4 =	vadd.f32 v4, v10;
	v5 =	vperm.xlane v6, v54;
	v57 =	vmul.f32 v16, v14  }
0xca: {  	v7 =	vadd.f32 v7, v11;
	v2 =	vadd.f32 v52, v9;
	v58 =	vmul.f32 v48, v14  }
0xcb: {  	v0 =	vmul.f32 v0, v5;
	v59 =	vmul.f32 v49, v14;
	v3 =	vadd.f32 v57, v53  }
0xcc: {  	s31 =	sshll.u32 s24, $0x6;
	s24 =	sadd.s32 $0x1, s24;
	v1 =	vmul.f32 v1, v5;
	v60 =	vmul.f32 v51, v14;
	v4 =	vadd.f32 v58, v4  }
0xcd: {  	p0 =	sne.s32 s24, $0x10;
	v8 =	vmul.f32 v55, v5;
	v7 =	vadd.f32 v59, v7;
	v0 =	vadd.f32 v0, v3  }
.Ltmp6:
0xce: {  	s3 =	sand.u32 $0x3FFFFFC0, s31;
	v61 =	vmul.f32 v56, v5;
	v2 =	vadd.f32 v60, v2;
	v1 =	vadd.f32 v1, v4;
	(pc) =	sbr.rel @p0 .LBB2_11-.Ltmp6, $4  }
0xcf: {  	v62 =	vadd.f32 v8, v7;
	[tilespmem:s3+$0x1A080] =	vst v0  }
0xd0: {  	v63 =	vadd.f32 v61, v2;
	[tilespmem:s3+$0x1A090] =	vst v1  }
0xd1: {  	[tilespmem:s3+$0x1A0A0] =	vst v62  }
0xd2: {  	s22 =	sadd.s32 $0x32, s22;
	s23 =	sadd.s32 $0xC80, s23;
	s21 =	sadd.s32 $0x32, s21;
	[tilespmem:s3+$0x1A0B0] =	vst v63  }
0xd3: {  	s19 =	sadd.s32 $0x1, s19  }
0xd4: {  	p0 =	sne.s32 s19, $0x10  }
.Ltmp7:
0xd5: {  	_ = 	snop;
	(pc) =	sbr.rel @p0 .LBB2_2-.Ltmp7, $3  }
0xd6: {  	_ =	sdelay $0x1  }
0xd7: {  	s3 =	sadd.s32 s20, s11  }
0xd8: {  	[hbm4b:s3+s4] =	stream.linear.scatter [tilespmem:s18], [sflag:$0x6], $0x400, $0x38;
	[tilespmem:$0x1A480] =	vst v63  }
0xd9: {  	s3 =	simm.s32 $0x5  }
0xda: {  	_ =	swait.ge [sflag:s3], $0x400  }
0xdb: {  	[sflag:s3] =	ssyncset.done $0x0  }
0xdc: {  	[sflag:s3] =	ssyncadd.s32 $0xFFFFFC00  }
0xdd: {  	_ =	swait.ge [sflag:s17], $0x400  }
0xde: {  	s19 =	rddreg [dreg:$0xb]  }
0xdf: {  	s31 =	rddreg [dreg:$0xa];
	s19 =	sadd.s32 $0x1, s19  }
0xe0: {  	p0 =	sne.s32 s19, s31  }
.Ltmp8:
0xe1: {  	_ = 	snop;
	(pc) =	sbr.rel @p0 .LBB2_1-.Ltmp8, $3  }
0xe2: {  	_ =	sdelay $0x1  }
0xe3: {  	[sflag:s17] =	ssyncset.done $0x0  }
0xe4: {  	[sflag:s17] =	ssyncadd.s32 $0xFFFFFC00  }
0xe5: {  	_ =	sfence.sel $0x180000  }
0xe6: {  	[bflag:$0x0] =	sbarrier.arrive $0xFFFF  }
0xe7: {  	_ =	strace $0x90000047  }
0xe8: {  	s0 =	stileid.u32;
	[bflag:$0x2] =	sbarrier.arrive $0xFFFF  }
0xe9: {  	p0 =	sne.s32 s0, $0x0;
	s0 =	rddreg [dreg:$0x4]  }
0xea: {  	s0 =	sadd.s32 @!p0 $0x100000, s0  }
0xeb: {  	[sflag:s0] =	ssyncadd.tile.s32 @!p0 $0x1;
	_ =	shalt  }
.Lfunc_end2:
_tile_overlayer_lowered:
.L_overlay_start_2:
0xec: {  	(tag) =	ssettag $0x2  }
0xed: {  	s0 =	rddreg [dreg:$0x0];
	s2 =	stileid.u32  }
0xee: {  	s1 =	rddreg [dreg:$0x1];
	p0 =	sne.s32 s2, $0x0  }
0xef: {  	s3 =	rddreg [dreg:$0x2];
	[bflag:$0x3] =	sbarrier.arrive $0xFFFF;
	s2 =	simm.s32 @!p0 $0x1C07  }
0xf0: {  	[timem:s3], [sflag:s2] =	dma.local @!p0 [hbm:s0], s1  }
0xf1: {  	s0 =	simm.s32 @!p0 $0x7  }
0xf2: {  	_ =	swait.ge @!p0 [sflag:s0], s1  }
0xf3: {  	s1 =	ssub.s32 @!p0 $0x0, s1;
	[sflag:s0] =	ssyncset.done @!p0 $0x0  }
0xf4: {  	[sflag:s0] =	ssyncadd.s32 @!p0 s1  }
0xf5: {  	[bflag:$0x3] =	sbarrier.arrive $0xFFFF  }
0xf6: {  	_ =	shalt  }

</sc_bundles>
